<compile_context>
chip_gen: v7x
topology: tpu7x:2x2x1
jax: 0.10.2.dev20260603
libtpu: 0.0.44.dev20260713+nightly
codegen_flags: <defaults>
</compile_context>

<pallas_src>
import jax
import jax.numpy as jnp
from jax import lax
from jax.experimental import pallas as pl
from jax.experimental.pallas import tpu as pltpu
from jax.experimental.pallas import tpu_sc as plsc

N_OUT = 4 * 384 * 384 * 96
N_UPD = 4 * 192 * 192 * 96
SHIFT = 20
BINW = 1 << SHIFT
NBINS = N_OUT // BINW
NB_PAD = 64
NCORES = 2
NSUB = 16
NW = NCORES * NSUB
CHUNK = N_UPD // NW
WSZ = 36864
WPT = CHUNK // WSZ
NSTRIP = NW * WPT
RW = 1024
NSTG = N_UPD + RW
TRASH = 16 * NSUB
SPT = NSTRIP // NSUB
ZB = 8192


def _route_body(idx_hbm, val_hbm, stgi_hbm, stgv_hbm, pref_hbm,
                a_v, dstb_v, c_v, whist_v, wctr_v, pref_v, dstp_v):
    wid = lax.axis_index("s") * NCORES + lax.axis_index("c")
    base = wid * CHUNK
    lanes = lax.iota(jnp.int32, 16)
    lanebase = lanes * NB_PAD
    ones = jnp.ones((16,), jnp.int32)
    mask20 = jnp.int32(BINW - 1)

    def _win(w, _):
        col = wid * WPT + w
        pltpu.sync_copy(idx_hbm.at[pl.ds(base + w * WSZ, WSZ)], a_v)

        def _z(i, _):
            whist_v[pl.ds(i * 16, 16)] = jnp.zeros((16,), jnp.int32)
            return 0
        lax.fori_loop(0, (16 * NB_PAD) // 16, _z, 0)

        def _h(j, _):
            iv = a_v[pl.ds(j * 16, 16)]
            pos = lax.shift_right_logical(iv, SHIFT) + lanebase
            plsc.addupdate_scatter(whist_v, [pos], ones)
            return 0
        lax.fori_loop(0, WSZ // 16, _h, 0)

        carry = jnp.int32(0)
        for g in range(NB_PAD // 16):
            tot = jnp.zeros((16,), jnp.int32)
            for l in range(16):
                tot = tot + whist_v[pl.ds(l * NB_PAD + g * 16, 16)]
            excl = plsc.cumsum(tot) - tot + carry
            wctr_v[pl.ds(g * 16, 16)] = excl
            pref_v[pl.ds(g * 16, 16)] = excl
            dstp_v[pl.ds(g * 16, 16)] = (g * 16 + lanes) * NSTRIP + col
            carry = carry + jnp.sum(tot)

        pltpu.sync_copy(pref_v, pref_hbm.at[dstp_v])

        def _r(j, _):
            iv = a_v[pl.ds(j * 16, 16)]
            b = lax.shift_right_logical(iv, SHIFT)
            cnt, last = plsc.scan_count(b)
            bse = plsc.load_gather(wctr_v, [b])
            dst = bse + cnt - 1
            dstb_v[pl.ds(j * 16, 16)] = dst
            plsc.store_scatter(c_v, [dst], iv & mask20)
            plsc.addupdate_scatter(wctr_v, [b], cnt, mask=last)
            return 0
        lax.fori_loop(0, WSZ // 16, _r, 0)
        pltpu.sync_copy(c_v, stgi_hbm.at[pl.ds(col * WSZ, WSZ)])

        pltpu.sync_copy(val_hbm.at[pl.ds(base + w * WSZ, WSZ)], a_v)

        def _r2(j, _):
            vv = a_v[pl.ds(j * 16, 16)]
            dst = dstb_v[pl.ds(j * 16, 16)]
            plsc.store_scatter(c_v, [dst], vv)
            return 0
        lax.fori_loop(0, WSZ // 16, _r2, 0)
        pltpu.sync_copy(c_v, stgv_hbm.at[pl.ds(col * WSZ, WSZ)])
        return 0
    lax.fori_loop(0, WPT, _win, 0)


def _acc_body(stgi_hbm, stgv_hbm, pref_hbm, out_hbm,
              ridx_v, rval_v, prow_v, zero_v, pref_sm, sem1, sem2, acc,
              pref_sp):
    cid = lax.axis_index("c")
    sid = lax.axis_index("s")
    lanes = lax.iota(jnp.int32, 16)
    trash_vec = jnp.int32(BINW) + sid * 16 + lanes
    zslice = BINW // NSUB

    def _zz(i, _):
        zero_v[pl.ds(i * 16, 16)] = jnp.zeros((16,), jnp.float32)
        return 0
    lax.fori_loop(0, ZB // 16, _zz, 0)

    def _round(r, _):
        b = NCORES * r + cid

        zds = [pltpu.async_copy(
                   zero_v, acc.at[pl.ds(sid * zslice + z * ZB, ZB)], sem1)
               for z in range(zslice // ZB)]
        for d in zds:
            d.wait()

        pltpu.sync_copy(pref_hbm.at[pl.ds(b * NSTRIP, NSTRIP)],
                        prow_v.at[pl.ds(0, NSTRIP)])
        pltpu.sync_copy(pref_hbm.at[pl.ds((b + 1) * NSTRIP, NSTRIP)],
                        prow_v.at[pl.ds(NSTRIP, NSTRIP)])
        al_s = pl.multiple_of((sid * SPT) & ~jnp.int32(7), 8)
        pltpu.sync_copy(prow_v.at[pl.ds(al_s, 64)],
                        pref_sp.at[pl.ds(sid * 128, 64)])
        pltpu.sync_copy(prow_v.at[pl.ds(NSTRIP + al_s, 64)],
                        pref_sp.at[pl.ds(sid * 128 + 64, 64)])
        pltpu.sync_copy(pref_sp.at[pl.ds(sid * 128, 128)], pref_sm)
        plsc.subcore_barrier()

        def _run(k, _):
            s_k = sid * SPT + k
            st = s_k * WSZ + pref_sm[s_k - al_s]
            en = s_k * WSZ + pref_sm[64 + s_k - al_s]
            al = pl.multiple_of(st & ~jnp.int32(7), 8)
            nwin = jnp.where(
                en > st,
                lax.shift_right_logical(en - al + RW - 1, 10), 0)

            def _w(w, _):
                wb = al + w * RW
                d1 = pltpu.async_copy(stgi_hbm.at[pl.ds(wb, RW)],
                                      ridx_v, sem1)
                d2 = pltpu.async_copy(stgv_hbm.at[pl.ds(wb, RW)],
                                      rval_v, sem2)
                d1.wait()
                d2.wait()

                def _v(j, _):
                    pos = wb + j * 16 + lanes
                    iv = ridx_v[pl.ds(j * 16, 16)]
                    ok = (pos >= st) & (pos < en)
                    ridx_v[pl.ds(j * 16, 16)] = jnp.where(ok, iv, trash_vec)
                    return 0
                lax.fori_loop(0, RW // 16, _v, 0)

                pltpu.sync_copy(rval_v, acc.at[ridx_v], add=True)
                return 0
            lax.fori_loop(0, nwin, _w, 0)
            return 0
        lax.fori_loop(0, SPT, _run, 0)
        plsc.subcore_barrier()

        pltpu.sync_copy(acc.at[pl.ds(sid * zslice, zslice)],
                        out_hbm.at[pl.ds(b * BINW + sid * zslice, zslice)])
        plsc.subcore_barrier()
        return 0
    lax.fori_loop(0, NBINS // NCORES, _round, 0)


@jax.jit
def kernel(inputs_values, unpool_mat):
    vals_bits = lax.bitcast_convert_type(inputs_values.reshape(-1),
                                         jnp.int32)
    idx = unpool_mat.reshape(-1)
    mesh = plsc.VectorSubcoreMesh(core_axis_name="c", subcore_axis_name="s")
    params = pltpu.CompilerParams(needs_layout_passes=False)

    stgi, stgv, pref = pl.kernel(
        _route_body,
        out_type=(jax.ShapeDtypeStruct((NSTG,), jnp.int32),
                  jax.ShapeDtypeStruct((NSTG,), jnp.int32),
                  jax.ShapeDtypeStruct(((NB_PAD + 1) * NSTRIP,), jnp.int32)),
        mesh=mesh,
        scratch_types=[
            pltpu.VMEM((WSZ,), jnp.int32),
            pltpu.VMEM((WSZ,), jnp.int32),
            pltpu.VMEM((WSZ,), jnp.int32),
            pltpu.VMEM((16 * NB_PAD,), jnp.int32),
            pltpu.VMEM((NB_PAD,), jnp.int32),
            pltpu.VMEM((NB_PAD,), jnp.int32),
            pltpu.VMEM((NB_PAD,), jnp.int32),
        ],
        compiler_params=params,
    )(idx, vals_bits)

    stgv_f = lax.bitcast_convert_type(stgv, jnp.float32)
    out = pl.kernel(
        _acc_body,
        out_type=jax.ShapeDtypeStruct((N_OUT,), jnp.float32),
        mesh=mesh,
        scratch_types=[
            pltpu.VMEM((RW,), jnp.int32),
            pltpu.VMEM((RW,), jnp.float32),
            pltpu.VMEM((2 * NSTRIP,), jnp.int32),
            pltpu.VMEM((ZB,), jnp.float32),
            pltpu.SMEM((128,), jnp.int32),
            pltpu.SemaphoreType.DMA,
            pltpu.SemaphoreType.DMA,
            pltpu.VMEM_SHARED((BINW + TRASH,), jnp.float32),
            pltpu.VMEM_SHARED((NSUB * 128,), jnp.int32),
        ],
        compiler_params=params,
    )(stgi, stgv_f, pref)

    return out.reshape(inputs_values.shape[0], 384, 384, 96)

# --- scband reference (transcript-rebuilt; emitter-appended) ---
"""Pipeline reference for scband-complex-un-pooling2-d-74406013436554 (READ-ONLY COPY).

The authoritative reference and input builder live on the scoring server;
editing this copy changes nothing except your own understanding.
"""

import jax, jax.numpy as jnp
import numpy as np

DESIRED = (384, 384, 96)


def setup_inputs(seed: int = 0) -> dict:
    key = jax.random.key(seed)
    k1, k2 = jax.random.split(key)
    B = 4
    inputs_values = jax.random.normal(k1, (B, 192, 192, 96), dtype=jnp.float32)
    flat = int(np.prod(DESIRED))
    unpool_mat = jax.random.randint(k2, (B, 192, 192, 96), 0, B * flat, dtype=jnp.int32)
    return {"inputs_values": inputs_values, "unpool_mat": unpool_mat}


def reference(inputs_values, unpool_mat):
    # Faithful translation of ComplexUnPooling2D.call:
    #   updates = reshape(inputs, [-1])
    #   indices = reshape(argmax, [-1, 1])
    #   ret = tf.scatter_nd(indices, updates, shape=(B * prod(desired_output_shape),))
    # tf.scatter_nd SUMS duplicate indices -> use .at[].add
    B = inputs_values.shape[0]
    flat = int(np.prod(DESIRED))
    updates = inputs_values.reshape(-1)
    indices = unpool_mat.reshape(-1)
    ret = jnp.zeros((B * flat,), dtype=inputs_values.dtype).at[indices].add(updates)
    ret = ret.reshape((B,) + DESIRED)
    return ret

if __name__ == "__main__":
    import jax
    _d = setup_inputs()
    print(jax.jit(kernel)(*tuple(_d.values())))

</pallas_src>

<mosaic_0001>
#map = affine_map<(d0, d1) -> (0)>
module attributes {stable_mosaic.version = 14 : i64} {
  func.func @_acc_body(%arg0: i32, %arg1: i32, %arg2: memref<14156800xi32, #tpu.memory_space<hbm>>, %arg3: memref<14156800xf32, #tpu.memory_space<hbm>>, %arg4: memref<24960xi32, #tpu.memory_space<hbm>>, %arg5: memref<56623104xf32, #tpu.memory_space<hbm>>, %arg6: memref<1024xi32, #tpu.memory_space<vmem>>, %arg7: memref<1024xf32, #tpu.memory_space<vmem>>, %arg8: memref<768xi32, #tpu.memory_space<vmem>>, %arg9: memref<8192xf32, #tpu.memory_space<vmem>>, %arg10: memref<128xi32, #tpu.memory_space<smem>>, %arg11: memref<!tpu.dma_semaphore, #tpu.memory_space<semaphore_mem>>, %arg12: memref<!tpu.dma_semaphore, #tpu.memory_space<semaphore_mem>>, %arg13: memref<1048832xf32, #tpu.memory_space<vmem_shared>>, %arg14: memref<2048xi32, #tpu.memory_space<vmem_shared>>) attributes {dimension_semantics = [#tpu.dimension_semantics<core_parallel>, #tpu.dimension_semantics<subcore_parallel>], iteration_bounds = array<i64: 2, 16>, scalar_prefetch = 0 : i64, scratch_operands = 9 : i64, tpu.core_type = #tpu.core_type<sc_vector_subcore>, window_params = [{transform_indices = #map}, {transform_indices = #map}, {transform_indices = #map}, {transform_indices = #map}]} {
    %iota3A = tpu.iota {dimensions = array<i32: 0>} : vector<16xi32>
    %mul3A = arith.constant 16 : i32
    %mul3A_0 = arith.muli %arg1, %mul3A : i32
    %add3A = arith.constant 1048576 : i32
    %add3A_1 = arith.addi %add3A, %mul3A_0 : i32
    %add3A_2 = vector.broadcast %add3A_1 : i32 to vector<16xi32>
    %add3A_3 = arith.addi %add3A_2, %iota3A : vector<16xi32>
    %scan3A = arith.constant 0 : i32
    %scan3A_4 = arith.constant 0 : i32
    %scan3A_5 = arith.constant 512 : i32
    %scan3A_6 = arith.addi %scan3A_4, %scan3A_5 : i32
    %scan3A_7 = arith.constant 1 : i32
    %scan3A_8 = scf.for %scan3A_17 = %scan3A_4 to %scan3A_6 step %scan3A_7 iter_args(%scan3A_18 = %scan3A) -> (i32)  : i32 {
      %broadcast_in_dim3A = arith.constant 0.000000e+00 : f32
      %broadcast_in_dim3A_19 = vector.broadcast %broadcast_in_dim3A : f32 to vector<16xf32>
      %mul3A_20 = arith.constant 16 : i32
      %mul3A_21 = arith.muli %scan3A_17, %mul3A_20 : i32
      %swap3A = arith.index_cast %mul3A_21 : i32 to index
      %swap3A_22 = tpu.vector_load %arg9[%swap3A] {strides = array<i32>} : memref<8192xf32, #tpu.memory_space<vmem>>, vector<16xf32>,
      tpu.vector_store %arg9[%swap3A], %broadcast_in_dim3A_19 {strides = array<i32>} : memref<8192xf32, #tpu.memory_space<vmem>>, vector<16xf32>,
      %scan3A_23 = arith.constant 0 : i32
      scf.yield %scan3A_23 : i32
    }
    %scan3A_9 = arith.constant 512 : i32
    %scan3A_10 = arith.constant 0 : i32
    %scan3A_11 = arith.constant 0 : i32
    %scan3A_12 = arith.constant 27 : i32
    %scan3A_13 = arith.addi %scan3A_11, %scan3A_12 : i32
    %scan3A_14 = arith.constant 1 : i32
    %scan3A_15 = scf.for %scan3A_17 = %scan3A_11 to %scan3A_13 step %scan3A_14 iter_args(%scan3A_18 = %scan3A_10) -> (i32)  : i32 {
      %mul3A_19 = arith.constant 2 : i32
      %mul3A_20 = arith.muli %mul3A_19, %scan3A_17 : i32
      %add3A_21 = arith.addi %mul3A_20, %arg0 : i32
      %mul3A_22 = arith.constant 65536 : i32
      %mul3A_23 = arith.muli %arg1, %mul3A_22 : i32
      %add3A_24 = arith.constant 0 : i32
      %add3A_25 = arith.addi %mul3A_23, %add3A_24 : i32
      %dma_start3A = tpu.memref_slice %arg13[%add3A_25] : memref<1048832xf32, #tpu.memory_space<vmem_shared>> -> memref<8192xf32, #tpu.memory_space<vmem_shared>>
      %dma_start3A_26 = tpu.memref_slice %arg13[%add3A_25] : memref<1048832xf32, #tpu.memory_space<vmem_shared>> -> memref<8192xf32, #tpu.memory_space<vmem_shared>>
      tpu.enqueue_dma source(%arg9 : memref<8192xf32, #tpu.memory_space<vmem>>) target(%dma_start3A_26 : memref<8192xf32, #tpu.memory_space<vmem_shared>>) target_semaphore(%arg11 : memref<!tpu.dma_semaphore, #tpu.memory_space<semaphore_mem>>)
      %mul3A_27 = arith.constant 65536 : i32
      %mul3A_28 = arith.muli %arg1, %mul3A_27 : i32
      %add3A_29 = arith.constant 8192 : i32
      %add3A_30 = arith.addi %mul3A_28, %add3A_29 : i32
      %dma_start3A_31 = tpu.memref_slice %arg13[%add3A_30] : memref<1048832xf32, #tpu.memory_space<vmem_shared>> -> memref<8192xf32, #tpu.memory_space<vmem_shared>>
      %dma_start3A_32 = tpu.memref_slice %arg13[%add3A_30] : memref<1048832xf32, #tpu.memory_space<vmem_shared>> -> memref<8192xf32, #tpu.memory_space<vmem_shared>>
      tpu.enqueue_dma source(%arg9 : memref<8192xf32, #tpu.memory_space<vmem>>) target(%dma_start3A_32 : memref<8192xf32, #tpu.memory_space<vmem_shared>>) target_semaphore(%arg11 : memref<!tpu.dma_semaphore, #tpu.memory_space<semaphore_mem>>)
      %mul3A_33 = arith.constant 65536 : i32
      %mul3A_34 = arith.muli %arg1, %mul3A_33 : i32
      %add3A_35 = arith.constant 16384 : i32
      %add3A_36 = arith.addi %mul3A_34, %add3A_35 : i32
      %dma_start3A_37 = tpu.memref_slice %arg13[%add3A_36] : memref<1048832xf32, #tpu.memory_space<vmem_shared>> -> memref<8192xf32, #tpu.memory_space<vmem_shared>>
      %dma_start3A_38 = tpu.memref_slice %arg13[%add3A_36] : memref<1048832xf32, #tpu.memory_space<vmem_shared>> -> memref<8192xf32, #tpu.memory_space<vmem_shared>>
      tpu.enqueue_dma source(%arg9 : memref<8192xf32, #tpu.memory_space<vmem>>) target(%dma_start3A_38 : memref<8192xf32, #tpu.memory_space<vmem_shared>>) target_semaphore(%arg11 : memref<!tpu.dma_semaphore, #tpu.memory_space<semaphore_mem>>)
      %mul3A_39 = arith.constant 65536 : i32
      %mul3A_40 = arith.muli %arg1, %mul3A_39 : i32
      %add3A_41 = arith.constant 24576 : i32
      %add3A_42 = arith.addi %mul3A_40, %add3A_41 : i32
      %dma_start3A_43 = tpu.memref_slice %arg13[%add3A_42] : memref<1048832xf32, #tpu.memory_space<vmem_shared>> -> memref<8192xf32, #tpu.memory_space<vmem_shared>>
      %dma_start3A_44 = tpu.memref_slice %arg13[%add3A_42] : memref<1048832xf32, #tpu.memory_space<vmem_shared>> -> memref<8192xf32, #tpu.memory_space<vmem_shared>>
      tpu.enqueue_dma source(%arg9 : memref<8192xf32, #tpu.memory_space<vmem>>) target(%dma_start3A_44 : memref<8192xf32, #tpu.memory_space<vmem_shared>>) target_semaphore(%arg11 : memref<!tpu.dma_semaphore, #tpu.memory_space<semaphore_mem>>)
      %mul3A_45 = arith.constant 65536 : i32
      %mul3A_46 = arith.muli %arg1, %mul3A_45 : i32
      %add3A_47 = arith.constant 32768 : i32
      %add3A_48 = arith.addi %mul3A_46, %add3A_47 : i32
      %dma_start3A_49 = tpu.memref_slice %arg13[%add3A_48] : memref<1048832xf32, #tpu.memory_space<vmem_shared>> -> memref<8192xf32, #tpu.memory_space<vmem_shared>>
      %dma_start3A_50 = tpu.memref_slice %arg13[%add3A_48] : memref<1048832xf32, #tpu.memory_space<vmem_shared>> -> memref<8192xf32, #tpu.memory_space<vmem_shared>>
      tpu.enqueue_dma source(%arg9 : memref<8192xf32, #tpu.memory_space<vmem>>) target(%dma_start3A_50 : memref<8192xf32, #tpu.memory_space<vmem_shared>>) target_semaphore(%arg11 : memref<!tpu.dma_semaphore, #tpu.memory_space<semaphore_mem>>)
      %mul3A_51 = arith.constant 65536 : i32
      %mul3A_52 = arith.muli %arg1, %mul3A_51 : i32
      %add3A_53 = arith.constant 40960 : i32
      %add3A_54 = arith.addi %mul3A_52, %add3A_53 : i32
      %dma_start3A_55 = tpu.memref_slice %arg13[%add3A_54] : memref<1048832xf32, #tpu.memory_space<vmem_shared>> -> memref<8192xf32, #tpu.memory_space<vmem_shared>>
      %dma_start3A_56 = tpu.memref_slice %arg13[%add3A_54] : memref<1048832xf32, #tpu.memory_space<vmem_shared>> -> memref<8192xf32, #tpu.memory_space<vmem_shared>>
      tpu.enqueue_dma source(%arg9 : memref<8192xf32, #tpu.memory_space<vmem>>) target(%dma_start3A_56 : memref<8192xf32, #tpu.memory_space<vmem_shared>>) target_semaphore(%arg11 : memref<!tpu.dma_semaphore, #tpu.memory_space<semaphore_mem>>)
      %mul3A_57 = arith.constant 65536 : i32
      %mul3A_58 = arith.muli %arg1, %mul3A_57 : i32
      %add3A_59 = arith.constant 49152 : i32
      %add3A_60 = arith.addi %mul3A_58, %add3A_59 : i32
      %dma_start3A_61 = tpu.memref_slice %arg13[%add3A_60] : memref<1048832xf32, #tpu.memory_space<vmem_shared>> -> memref<8192xf32, #tpu.memory_space<vmem_shared>>
      %dma_start3A_62 = tpu.memref_slice %arg13[%add3A_60] : memref<1048832xf32, #tpu.memory_space<vmem_shared>> -> memref<8192xf32, #tpu.memory_space<vmem_shared>>
      tpu.enqueue_dma source(%arg9 : memref<8192xf32, #tpu.memory_space<vmem>>) target(%dma_start3A_62 : memref<8192xf32, #tpu.memory_space<vmem_shared>>) target_semaphore(%arg11 : memref<!tpu.dma_semaphore, #tpu.memory_space<semaphore_mem>>)
      %mul3A_63 = arith.constant 65536 : i32
      %mul3A_64 = arith.muli %arg1, %mul3A_63 : i32
      %add3A_65 = arith.constant 57344 : i32
      %add3A_66 = arith.addi %mul3A_64, %add3A_65 : i32
      %dma_start3A_67 = tpu.memref_slice %arg13[%add3A_66] : memref<1048832xf32, #tpu.memory_space<vmem_shared>> -> memref<8192xf32, #tpu.memory_space<vmem_shared>>
      %dma_start3A_68 = tpu.memref_slice %arg13[%add3A_66] : memref<1048832xf32, #tpu.memory_space<vmem_shared>> -> memref<8192xf32, #tpu.memory_space<vmem_shared>>
      tpu.enqueue_dma source(%arg9 : memref<8192xf32, #tpu.memory_space<vmem>>) target(%dma_start3A_68 : memref<8192xf32, #tpu.memory_space<vmem_shared>>) target_semaphore(%arg11 : memref<!tpu.dma_semaphore, #tpu.memory_space<semaphore_mem>>)
      %dma_wait3A = tpu.memref_slice %arg13[%add3A_25] : memref<1048832xf32, #tpu.memory_space<vmem_shared>> -> memref<8192xf32, #tpu.memory_space<vmem_shared>>
      %dma_wait3A_69 = tpu.memref_slice %arg13[%add3A_25] : memref<1048832xf32, #tpu.memory_space<vmem_shared>> -> memref<8192xf32, #tpu.memory_space<vmem_shared>>
      tpu.wait_dma2 semaphore(%arg11 : memref<!tpu.dma_semaphore, #tpu.memory_space<semaphore_mem>>) src(%arg9 : memref<8192xf32, #tpu.memory_space<vmem>>) dst(%dma_wait3A_69 : memref<8192xf32, #tpu.memory_space<vmem_shared>>)
      %dma_wait3A_70 = tpu.memref_slice %arg13[%add3A_30] : memref<1048832xf32, #tpu.memory_space<vmem_shared>> -> memref<8192xf32, #tpu.memory_space<vmem_shared>>
      %dma_wait3A_71 = tpu.memref_slice %arg13[%add3A_30] : memref<1048832xf32, #tpu.memory_space<vmem_shared>> -> memref<8192xf32, #tpu.memory_space<vmem_shared>>
      tpu.wait_dma2 semaphore(%arg11 : memref<!tpu.dma_semaphore, #tpu.memory_space<semaphore_mem>>) src(%arg9 : memref<8192xf32, #tpu.memory_space<vmem>>) dst(%dma_wait3A_71 : memref<8192xf32, #tpu.memory_space<vmem_shared>>)
      %dma_wait3A_72 = tpu.memref_slice %arg13[%add3A_36] : memref<1048832xf32, #tpu.memory_space<vmem_shared>> -> memref<8192xf32, #tpu.memory_space<vmem_shared>>
      %dma_wait3A_73 = tpu.memref_slice %arg13[%add3A_36] : memref<1048832xf32, #tpu.memory_space<vmem_shared>> -> memref<8192xf32, #tpu.memory_space<vmem_shared>>
      tpu.wait_dma2 semaphore(%arg11 : memref<!tpu.dma_semaphore, #tpu.memory_space<semaphore_mem>>) src(%arg9 : memref<8192xf32, #tpu.memory_space<vmem>>) dst(%dma_wait3A_73 : memref<8192xf32, #tpu.memory_space<vmem_shared>>)
      %dma_wait3A_74 = tpu.memref_slice %arg13[%add3A_42] : memref<1048832xf32, #tpu.memory_space<vmem_shared>> -> memref<8192xf32, #tpu.memory_space<vmem_shared>>
      %dma_wait3A_75 = tpu.memref_slice %arg13[%add3A_42] : memref<1048832xf32, #tpu.memory_space<vmem_shared>> -> memref<8192xf32, #tpu.memory_space<vmem_shared>>
      tpu.wait_dma2 semaphore(%arg11 : memref<!tpu.dma_semaphore, #tpu.memory_space<semaphore_mem>>) src(%arg9 : memref<8192xf32, #tpu.memory_space<vmem>>) dst(%dma_wait3A_75 : memref<8192xf32, #tpu.memory_space<vmem_shared>>)
      %dma_wait3A_76 = tpu.memref_slice %arg13[%add3A_48] : memref<1048832xf32, #tpu.memory_space<vmem_shared>> -> memref<8192xf32, #tpu.memory_space<vmem_shared>>
      %dma_wait3A_77 = tpu.memref_slice %arg13[%add3A_48] : memref<1048832xf32, #tpu.memory_space<vmem_shared>> -> memref<8192xf32, #tpu.memory_space<vmem_shared>>
      tpu.wait_dma2 semaphore(%arg11 : memref<!tpu.dma_semaphore, #tpu.memory_space<semaphore_mem>>) src(%arg9 : memref<8192xf32, #tpu.memory_space<vmem>>) dst(%dma_wait3A_77 : memref<8192xf32, #tpu.memory_space<vmem_shared>>)
      %dma_wait3A_78 = tpu.memref_slice %arg13[%add3A_54] : memref<1048832xf32, #tpu.memory_space<vmem_shared>> -> memref<8192xf32, #tpu.memory_space<vmem_shared>>
      %dma_wait3A_79 = tpu.memref_slice %arg13[%add3A_54] : memref<1048832xf32, #tpu.memory_space<vmem_shared>> -> memref<8192xf32, #tpu.memory_space<vmem_shared>>
      tpu.wait_dma2 semaphore(%arg11 : memref<!tpu.dma_semaphore, #tpu.memory_space<semaphore_mem>>) src(%arg9 : memref<8192xf32, #tpu.memory_space<vmem>>) dst(%dma_wait3A_79 : memref<8192xf32, #tpu.memory_space<vmem_shared>>)
      %dma_wait3A_80 = tpu.memref_slice %arg13[%add3A_60] : memref<1048832xf32, #tpu.memory_space<vmem_shared>> -> memref<8192xf32, #tpu.memory_space<vmem_shared>>
      %dma_wait3A_81 = tpu.memref_slice %arg13[%add3A_60] : memref<1048832xf32, #tpu.memory_space<vmem_shared>> -> memref<8192xf32, #tpu.memory_space<vmem_shared>>
      tpu.wait_dma2 semaphore(%arg11 : memref<!tpu.dma_semaphore, #tpu.memory_space<semaphore_mem>>) src(%arg9 : memref<8192xf32, #tpu.memory_space<vmem>>) dst(%dma_wait3A_81 : memref<8192xf32, #tpu.memory_space<vmem_shared>>)
      %dma_wait3A_82 = tpu.memref_slice %arg13[%add3A_66] : memref<1048832xf32, #tpu.memory_space<vmem_shared>> -> memref<8192xf32, #tpu.memory_space<vmem_shared>>
      %dma_wait3A_83 = tpu.memref_slice %arg13[%add3A_66] : memref<1048832xf32, #tpu.memory_space<vmem_shared>> -> memref<8192xf32, #tpu.memory_space<vmem_shared>>
      tpu.wait_dma2 semaphore(%arg11 : memref<!tpu.dma_semaphore, #tpu.memory_space<semaphore_mem>>) src(%arg9 : memref<8192xf32, #tpu.memory_space<vmem>>) dst(%dma_wait3A_83 : memref<8192xf32, #tpu.memory_space<vmem_shared>>)
      %mul3A_84 = arith.constant 384 : i32
      %mul3A_85 = arith.muli %add3A_21, %mul3A_84 : i32
      "tpu.region"() ({
        %run_scoped3A = tpu.sem_alloc : memref<!tpu.dma_semaphore, #tpu.memory_space<semaphore_mem>>
        %dma_start3A_121 = arith.constant 0 : i32
        %dma_start3A_122 = tpu.memref_slice %arg8[%dma_start3A_121] : memref<768xi32, #tpu.memory_space<vmem>> -> memref<384xi32, #tpu.memory_space<vmem>>
        %dma_start3A_123 = tpu.memref_slice %arg4[%mul3A_85] : memref<24960xi32, #tpu.memory_space<hbm>> -> memref<384xi32, #tpu.memory_space<hbm>>
        %dma_start3A_124 = arith.constant 0 : i32
        %dma_start3A_125 = tpu.memref_slice %arg8[%dma_start3A_124] : memref<768xi32, #tpu.memory_space<vmem>> -> memref<384xi32, #tpu.memory_space<vmem>>
        %dma_start3A_126 = tpu.memref_slice %arg4[%mul3A_85] : memref<24960xi32, #tpu.memory_space<hbm>> -> memref<384xi32, #tpu.memory_space<hbm>>
        tpu.enqueue_dma source(%dma_start3A_126 : memref<384xi32, #tpu.memory_space<hbm>>) target(%dma_start3A_125 : memref<384xi32, #tpu.memory_space<vmem>>) target_semaphore(%run_scoped3A : memref<!tpu.dma_semaphore, #tpu.memory_space<semaphore_mem>>)
        %dma_wait3A_127 = arith.constant 0 : i32
        %dma_wait3A_128 = tpu.memref_slice %arg8[%dma_wait3A_127] : memref<768xi32, #tpu.memory_space<vmem>> -> memref<384xi32, #tpu.memory_space<vmem>>
        %dma_wait3A_129 = tpu.memref_slice %arg4[%mul3A_85] : memref<24960xi32, #tpu.memory_space<hbm>> -> memref<384xi32, #tpu.memory_space<hbm>>
        %dma_wait3A_130 = arith.constant 0 : i32
        %dma_wait3A_131 = tpu.memref_slice %arg8[%dma_wait3A_130] : memref<768xi32, #tpu.memory_space<vmem>> -> memref<384xi32, #tpu.memory_space<vmem>>
        %dma_wait3A_132 = tpu.memref_slice %arg4[%mul3A_85] : memref<24960xi32, #tpu.memory_space<hbm>> -> memref<384xi32, #tpu.memory_space<hbm>>
        tpu.wait_dma2 semaphore(%run_scoped3A : memref<!tpu.dma_semaphore, #tpu.memory_space<semaphore_mem>>) src(%dma_wait3A_132 : memref<384xi32, #tpu.memory_space<hbm>>) dst(%dma_wait3A_131 : memref<384xi32, #tpu.memory_space<vmem>>)
        tpu.yield
      }) : () -> ()
      %add3A_86 = arith.constant 1 : i32
      %add3A_87 = arith.addi %add3A_21, %add3A_86 : i32
      %mul3A_88 = arith.constant 384 : i32
      %mul3A_89 = arith.muli %add3A_87, %mul3A_88 : i32
      "tpu.region"() ({
        %run_scoped3A = tpu.sem_alloc : memref<!tpu.dma_semaphore, #tpu.memory_space<semaphore_mem>>
        %dma_start3A_121 = arith.constant 384 : i32
        %dma_start3A_122 = tpu.memref_slice %arg8[%dma_start3A_121] : memref<768xi32, #tpu.memory_space<vmem>> -> memref<384xi32, #tpu.memory_space<vmem>>
        %dma_start3A_123 = tpu.memref_slice %arg4[%mul3A_89] : memref<24960xi32, #tpu.memory_space<hbm>> -> memref<384xi32, #tpu.memory_space<hbm>>
        %dma_start3A_124 = arith.constant 384 : i32
        %dma_start3A_125 = tpu.memref_slice %arg8[%dma_start3A_124] : memref<768xi32, #tpu.memory_space<vmem>> -> memref<384xi32, #tpu.memory_space<vmem>>
        %dma_start3A_126 = tpu.memref_slice %arg4[%mul3A_89] : memref<24960xi32, #tpu.memory_space<hbm>> -> memref<384xi32, #tpu.memory_space<hbm>>
        tpu.enqueue_dma source(%dma_start3A_126 : memref<384xi32, #tpu.memory_space<hbm>>) target(%dma_start3A_125 : memref<384xi32, #tpu.memory_space<vmem>>) target_semaphore(%run_scoped3A : memref<!tpu.dma_semaphore, #tpu.memory_space<semaphore_mem>>)
        %dma_wait3A_127 = arith.constant 384 : i32
        %dma_wait3A_128 = tpu.memref_slice %arg8[%dma_wait3A_127] : memref<768xi32, #tpu.memory_space<vmem>> -> memref<384xi32, #tpu.memory_space<vmem>>
        %dma_wait3A_129 = tpu.memref_slice %arg4[%mul3A_89] : memref<24960xi32, #tpu.memory_space<hbm>> -> memref<384xi32, #tpu.memory_space<hbm>>
        %dma_wait3A_130 = arith.constant 384 : i32
        %dma_wait3A_131 = tpu.memref_slice %arg8[%dma_wait3A_130] : memref<768xi32, #tpu.memory_space<vmem>> -> memref<384xi32, #tpu.memory_space<vmem>>
        %dma_wait3A_132 = tpu.memref_slice %arg4[%mul3A_89] : memref<24960xi32, #tpu.memory_space<hbm>> -> memref<384xi32, #tpu.memory_space<hbm>>
        tpu.wait_dma2 semaphore(%run_scoped3A : memref<!tpu.dma_semaphore, #tpu.memory_space<semaphore_mem>>) src(%dma_wait3A_132 : memref<384xi32, #tpu.memory_space<hbm>>) dst(%dma_wait3A_131 : memref<384xi32, #tpu.memory_space<vmem>>)
        tpu.yield
      }) : () -> ()
      %mul3A_90 = arith.constant 24 : i32
      %mul3A_91 = arith.muli %arg1, %mul3A_90 : i32
      %not3A = arith.constant 7 : i32
      %not3A_92 = arith.constant -1 : i32
      %not3A_93 = arith.xori %not3A, %not3A_92 : i32
      %and3A = arith.andi %mul3A_91, %not3A_93 : i32
      %multiple_of3A = tpu.assume_multiple %and3A, 8 : i32
      %mul3A_94 = arith.constant 128 : i32
      %mul3A_95 = arith.muli %arg1, %mul3A_94 : i32
      "tpu.region"() ({
        %run_scoped3A = tpu.sem_alloc : memref<!tpu.dma_semaphore, #tpu.memory_space<semaphore_mem>>
        %dma_start3A_121 = tpu.memref_slice %arg8[%multiple_of3A] : memref<768xi32, #tpu.memory_space<vmem>> -> memref<64xi32, #tpu.memory_space<vmem>>
        %dma_start3A_122 = tpu.memref_slice %arg14[%mul3A_95] : memref<2048xi32, #tpu.memory_space<vmem_shared>> -> memref<64xi32, #tpu.memory_space<vmem_shared>>
        %dma_start3A_123 = tpu.memref_slice %arg14[%mul3A_95] : memref<2048xi32, #tpu.memory_space<vmem_shared>> -> memref<64xi32, #tpu.memory_space<vmem_shared>>
        %dma_start3A_124 = tpu.memref_slice %arg8[%multiple_of3A] : memref<768xi32, #tpu.memory_space<vmem>> -> memref<64xi32, #tpu.memory_space<vmem>>
        tpu.enqueue_dma source(%dma_start3A_124 : memref<64xi32, #tpu.memory_space<vmem>>) target(%dma_start3A_123 : memref<64xi32, #tpu.memory_space<vmem_shared>>) target_semaphore(%run_scoped3A : memref<!tpu.dma_semaphore, #tpu.memory_space<semaphore_mem>>)
        %dma_wait3A_125 = tpu.memref_slice %arg8[%multiple_of3A] : memref<768xi32, #tpu.memory_space<vmem>> -> memref<64xi32, #tpu.memory_space<vmem>>
        %dma_wait3A_126 = tpu.memref_slice %arg14[%mul3A_95] : memref<2048xi32, #tpu.memory_space<vmem_shared>> -> memref<64xi32, #tpu.memory_space<vmem_shared>>
        %dma_wait3A_127 = tpu.memref_slice %arg14[%mul3A_95] : memref<2048xi32, #tpu.memory_space<vmem_shared>> -> memref<64xi32, #tpu.memory_space<vmem_shared>>
        %dma_wait3A_128 = tpu.memref_slice %arg8[%multiple_of3A] : memref<768xi32, #tpu.memory_space<vmem>> -> memref<64xi32, #tpu.memory_space<vmem>>
        tpu.wait_dma2 semaphore(%run_scoped3A : memref<!tpu.dma_semaphore, #tpu.memory_space<semaphore_mem>>) src(%dma_wait3A_128 : memref<64xi32, #tpu.memory_space<vmem>>) dst(%dma_wait3A_127 : memref<64xi32, #tpu.memory_space<vmem_shared>>)
        tpu.yield
      }) : () -> ()
      %add3A_96 = arith.constant 384 : i32
      %add3A_97 = arith.addi %add3A_96, %multiple_of3A : i32
      %mul3A_98 = arith.constant 128 : i32
      %mul3A_99 = arith.muli %arg1, %mul3A_98 : i32
      %add3A_100 = arith.constant 64 : i32
      %add3A_101 = arith.addi %mul3A_99, %add3A_100 : i32
      "tpu.region"() ({
        %run_scoped3A = tpu.sem_alloc : memref<!tpu.dma_semaphore, #tpu.memory_space<semaphore_mem>>
        %dma_start3A_121 = tpu.memref_slice %arg8[%add3A_97] : memref<768xi32, #tpu.memory_space<vmem>> -> memref<64xi32, #tpu.memory_space<vmem>>
        %dma_start3A_122 = tpu.memref_slice %arg14[%add3A_101] : memref<2048xi32, #tpu.memory_space<vmem_shared>> -> memref<64xi32, #tpu.memory_space<vmem_shared>>
        %dma_start3A_123 = tpu.memref_slice %arg14[%add3A_101] : memref<2048xi32, #tpu.memory_space<vmem_shared>> -> memref<64xi32, #tpu.memory_space<vmem_shared>>
        %dma_start3A_124 = tpu.memref_slice %arg8[%add3A_97] : memref<768xi32, #tpu.memory_space<vmem>> -> memref<64xi32, #tpu.memory_space<vmem>>
        tpu.enqueue_dma source(%dma_start3A_124 : memref<64xi32, #tpu.memory_space<vmem>>) target(%dma_start3A_123 : memref<64xi32, #tpu.memory_space<vmem_shared>>) target_semaphore(%run_scoped3A : memref<!tpu.dma_semaphore, #tpu.memory_space<semaphore_mem>>)
        %dma_wait3A_125 = tpu.memref_slice %arg8[%add3A_97] : memref<768xi32, #tpu.memory_space<vmem>> -> memref<64xi32, #tpu.memory_space<vmem>>
        %dma_wait3A_126 = tpu.memref_slice %arg14[%add3A_101] : memref<2048xi32, #tpu.memory_space<vmem_shared>> -> memref<64xi32, #tpu.memory_space<vmem_shared>>
        %dma_wait3A_127 = tpu.memref_slice %arg14[%add3A_101] : memref<2048xi32, #tpu.memory_space<vmem_shared>> -> memref<64xi32, #tpu.memory_space<vmem_shared>>
        %dma_wait3A_128 = tpu.memref_slice %arg8[%add3A_97] : memref<768xi32, #tpu.memory_space<vmem>> -> memref<64xi32, #tpu.memory_space<vmem>>
        tpu.wait_dma2 semaphore(%run_scoped3A : memref<!tpu.dma_semaphore, #tpu.memory_space<semaphore_mem>>) src(%dma_wait3A_128 : memref<64xi32, #tpu.memory_space<vmem>>) dst(%dma_wait3A_127 : memref<64xi32, #tpu.memory_space<vmem_shared>>)
        tpu.yield
      }) : () -> ()
      %mul3A_102 = arith.constant 128 : i32
      %mul3A_103 = arith.muli %arg1, %mul3A_102 : i32
      "tpu.region"() ({
        %run_scoped3A = tpu.sem_alloc : memref<!tpu.dma_semaphore, #tpu.memory_space<semaphore_mem>>
        %dma_start3A_121 = tpu.memref_slice %arg14[%mul3A_103] : memref<2048xi32, #tpu.memory_space<vmem_shared>> -> memref<128xi32, #tpu.memory_space<vmem_shared>>
        tpu.enqueue_dma source(%dma_start3A_121 : memref<128xi32, #tpu.memory_space<vmem_shared>>) target(%arg10 : memref<128xi32, #tpu.memory_space<smem>>) target_semaphore(%run_scoped3A : memref<!tpu.dma_semaphore, #tpu.memory_space<semaphore_mem>>)
        %dma_wait3A_122 = tpu.memref_slice %arg14[%mul3A_103] : memref<2048xi32, #tpu.memory_space<vmem_shared>> -> memref<128xi32, #tpu.memory_space<vmem_shared>>
        tpu.wait_dma2 semaphore(%run_scoped3A : memref<!tpu.dma_semaphore, #tpu.memory_space<semaphore_mem>>) src(%dma_wait3A_122 : memref<128xi32, #tpu.memory_space<vmem_shared>>) dst(%arg10 : memref<128xi32, #tpu.memory_space<smem>>)
        tpu.yield
      }) : () -> ()
      %barrier3A = arith.constant 0 : index
      tpu.barrier barrier_id(%barrier3A)
      %scan3A_104 = arith.constant 0 : i32
      %scan3A_105 = arith.constant 0 : i32
      %scan3A_106 = arith.constant 24 : i32
      %scan3A_107 = arith.addi %scan3A_105, %scan3A_106 : i32
      %scan3A_108 = arith.constant 1 : i32
      %scan3A_109 = scf.for %scan3A_121 = %scan3A_105 to %scan3A_107 step %scan3A_108 iter_args(%scan3A_122 = %scan3A_104) -> (i32)  : i32 {
        %mul3A_123 = arith.constant 24 : i32
        %mul3A_124 = arith.muli %arg1, %mul3A_123 : i32
        %add3A_125 = arith.addi %mul3A_124, %scan3A_121 : i32
        %mul3A_126 = arith.constant 36864 : i32
        %mul3A_127 = arith.muli %add3A_125, %mul3A_126 : i32
        %sub3A = arith.subi %add3A_125, %multiple_of3A : i32
        %get3A = arith.index_cast %sub3A : i32 to index
        %get3A_128 = memref.load %arg10[%get3A] : memref<128xi32, #tpu.memory_space<smem>>
        %add3A_129 = arith.addi %mul3A_127, %get3A_128 : i32
        %mul3A_130 = arith.constant 36864 : i32
        %mul3A_131 = arith.muli %add3A_125, %mul3A_130 : i32
        %add3A_132 = arith.constant 64 : i32
        %add3A_133 = arith.addi %add3A_132, %add3A_125 : i32
        %sub3A_134 = arith.subi %add3A_133, %multiple_of3A : i32
        %get3A_135 = arith.index_cast %sub3A_134 : i32 to index
        %get3A_136 = memref.load %arg10[%get3A_135] : memref<128xi32, #tpu.memory_space<smem>>
        %add3A_137 = arith.addi %mul3A_131, %get3A_136 : i32
        %not3A_138 = arith.constant 7 : i32
        %not3A_139 = arith.constant -1 : i32
        %not3A_140 = arith.xori %not3A_138, %not3A_139 : i32
        %and3A_141 = arith.andi %add3A_129, %not3A_140 : i32
        %multiple_of3A_142 = tpu.assume_multiple %and3A_141, 8 : i32
        %gt3A = arith.cmpi sgt, %add3A_137, %add3A_129 : i32
        %sub3A_143 = arith.subi %add3A_137, %multiple_of3A_142 : i32
        %add3A_144 = arith.constant 1024 : i32
        %add3A_145 = arith.addi %sub3A_143, %add3A_144 : i32
        %sub3A_146 = arith.constant 1 : i32
        %sub3A_147 = arith.subi %add3A_145, %sub3A_146 : i32
        %shift_right_logical3A = arith.constant 10 : i32
        %shift_right_logical3A_148 = arith.shrui %sub3A_147, %shift_right_logical3A : i32
        %jit3A = arith.constant 0 : i32
        %select_n3A = arith.select %gt3A, %shift_right_logical3A_148, %jit3A : i32
        %while3A = arith.constant 0 : i32
        %while3A_149 = arith.constant 0 : i32
        %while3A_150 = arith.subi %select_n3A, %while3A : i32
        %while3A_151 = arith.addi %while3A, %while3A_150 : i32
        %while3A_152 = arith.constant 1 : i32
        %while3A_153 = arith.divsi %while3A_150, %while3A_152 : i32
        %while3A_154 = arith.muli %while3A_153, %while3A_152 : i32
        %while3A_155 = arith.addi %while3A, %while3A_154 : i32
        %while3A_156 = arith.constant 1 : i32
        %while3A_157 = scf.for %while3A_161 = %while3A to %while3A_155 step %while3A_156 iter_args(%while3A_162 = %while3A_149) -> (i32)  : i32 {
          %mul3A_163 = arith.constant 1024 : i32
          %mul3A_164 = arith.muli %while3A_161, %mul3A_163 : i32
          %add3A_165 = arith.addi %multiple_of3A_142, %mul3A_164 : i32
          %dma_start3A_166 = tpu.memref_slice %arg2[%add3A_165] : memref<14156800xi32, #tpu.memory_space<hbm>> -> memref<1024xi32, #tpu.memory_space<hbm>>
          %dma_start3A_167 = tpu.memref_slice %arg2[%add3A_165] : memref<14156800xi32, #tpu.memory_space<hbm>> -> memref<1024xi32, #tpu.memory_space<hbm>>
          tpu.enqueue_dma source(%dma_start3A_167 : memref<1024xi32, #tpu.memory_space<hbm>>) target(%arg6 : memref<1024xi32, #tpu.memory_space<vmem>>) target_semaphore(%arg11 : memref<!tpu.dma_semaphore, #tpu.memory_space<semaphore_mem>>)
          %dma_start3A_168 = tpu.memref_slice %arg3[%add3A_165] : memref<14156800xf32, #tpu.memory_space<hbm>> -> memref<1024xf32, #tpu.memory_space<hbm>>
          %dma_start3A_169 = tpu.memref_slice %arg3[%add3A_165] : memref<14156800xf32, #tpu.memory_space<hbm>> -> memref<1024xf32, #tpu.memory_space<hbm>>
          tpu.enqueue_dma source(%dma_start3A_169 : memref<1024xf32, #tpu.memory_space<hbm>>) target(%arg7 : memref<1024xf32, #tpu.memory_space<vmem>>) target_semaphore(%arg12 : memref<!tpu.dma_semaphore, #tpu.memory_space<semaphore_mem>>)
          %dma_wait3A_170 = tpu.memref_slice %arg2[%add3A_165] : memref<14156800xi32, #tpu.memory_space<hbm>> -> memref<1024xi32, #tpu.memory_space<hbm>>
          %dma_wait3A_171 = tpu.memref_slice %arg2[%add3A_165] : memref<14156800xi32, #tpu.memory_space<hbm>> -> memref<1024xi32, #tpu.memory_space<hbm>>
          tpu.wait_dma2 semaphore(%arg11 : memref<!tpu.dma_semaphore, #tpu.memory_space<semaphore_mem>>) src(%dma_wait3A_171 : memref<1024xi32, #tpu.memory_space<hbm>>) dst(%arg6 : memref<1024xi32, #tpu.memory_space<vmem>>)
          %dma_wait3A_172 = tpu.memref_slice %arg3[%add3A_165] : memref<14156800xf32, #tpu.memory_space<hbm>> -> memref<1024xf32, #tpu.memory_space<hbm>>
          %dma_wait3A_173 = tpu.memref_slice %arg3[%add3A_165] : memref<14156800xf32, #tpu.memory_space<hbm>> -> memref<1024xf32, #tpu.memory_space<hbm>>
          tpu.wait_dma2 semaphore(%arg12 : memref<!tpu.dma_semaphore, #tpu.memory_space<semaphore_mem>>) src(%dma_wait3A_173 : memref<1024xf32, #tpu.memory_space<hbm>>) dst(%arg7 : memref<1024xf32, #tpu.memory_space<vmem>>)
          %scan3A_174 = arith.constant 0 : i32
          %scan3A_175 = arith.constant 0 : i32
          %scan3A_176 = arith.constant 64 : i32
          %scan3A_177 = arith.addi %scan3A_175, %scan3A_176 : i32
          %scan3A_178 = arith.constant 1 : i32
          %scan3A_179 = scf.for %scan3A_182 = %scan3A_175 to %scan3A_177 step %scan3A_178 iter_args(%scan3A_183 = %scan3A_174) -> (i32)  : i32 {
            %mul3A_184 = arith.constant 16 : i32
            %mul3A_185 = arith.muli %scan3A_182, %mul3A_184 : i32
            %add3A_186 = arith.addi %add3A_165, %mul3A_185 : i32
            %add3A_187 = vector.broadcast %add3A_186 : i32 to vector<16xi32>
            %add3A_188 = arith.addi %add3A_187, %iota3A : vector<16xi32>
            %mul3A_189 = arith.constant 16 : i32
            %mul3A_190 = arith.muli %scan3A_182, %mul3A_189 : i32
            %get3A_191 = arith.index_cast %mul3A_190 : i32 to index
            %get3A_192 = tpu.vector_load %arg6[%get3A_191] {strides = array<i32>} : memref<1024xi32, #tpu.memory_space<vmem>>, vector<16xi32>,
            %ge3A = vector.broadcast %add3A_129 : i32 to vector<16xi32>
            %ge3A_193 = arith.cmpi sge, %add3A_188, %ge3A : vector<16xi32>
            %lt3A = vector.broadcast %add3A_137 : i32 to vector<16xi32>
            %lt3A_194 = arith.cmpi slt, %add3A_188, %lt3A : vector<16xi32>
            %and3A_195 = arith.andi %ge3A_193, %lt3A_194 : vector<16xi1>
            %select_n3A_196 = arith.select %and3A_195, %get3A_192, %add3A_3 : vector<16xi1>, vector<16xi32>
            %mul3A_197 = arith.constant 16 : i32
            %mul3A_198 = arith.muli %scan3A_182, %mul3A_197 : i32
            %swap3A = arith.index_cast %mul3A_198 : i32 to index
            %swap3A_199 = tpu.vector_load %arg6[%swap3A] {strides = array<i32>} : memref<1024xi32, #tpu.memory_space<vmem>>, vector<16xi32>,
            tpu.vector_store %arg6[%swap3A], %select_n3A_196 {strides = array<i32>} : memref<1024xi32, #tpu.memory_space<vmem>>, vector<16xi32>,
            %scan3A_200 = arith.constant 0 : i32
            scf.yield %scan3A_200 : i32
          }
          %scan3A_180 = arith.constant 64 : i32
          "tpu.region"() ({
            %run_scoped3A = tpu.sem_alloc : memref<!tpu.dma_semaphore, #tpu.memory_space<semaphore_mem>>
            %dma_start3A_182 = arith.constant 0 : i32
            %dma_start3A_183 = tpu.memref_slice %arg13[%dma_start3A_182] : memref<1048832xf32, #tpu.memory_space<vmem_shared>> -> memref<1048832xf32, #tpu.memory_space<vmem_shared>>
            tpu.enqueue_indirect_dma source(%arg7 : memref<1024xf32, #tpu.memory_space<vmem>>) target(%dma_start3A_183 : memref<1048832xf32, #tpu.memory_space<vmem_shared>>) offsets(%arg6 : memref<1024xi32, #tpu.memory_space<vmem>>) semaphore(%run_scoped3A : memref<!tpu.dma_semaphore, #tpu.memory_space<semaphore_mem>>) {add = true}
            %dma_wait3A_184 = arith.constant 0 : i32
            %dma_wait3A_185 = tpu.memref_slice %arg13[%dma_wait3A_184] : memref<1048832xf32, #tpu.memory_space<vmem_shared>> -> memref<1048832xf32, #tpu.memory_space<vmem_shared>>
            tpu.wait_indirect_dma semaphore(%run_scoped3A : memref<!tpu.dma_semaphore, #tpu.memory_space<semaphore_mem>>) src(%arg7 : memref<1024xf32, #tpu.memory_space<vmem>>) dst(%dma_wait3A_185 : memref<1048832xf32, #tpu.memory_space<vmem_shared>>)
            tpu.yield
          }) : () -> ()
          %while3A_181 = arith.constant 0 : i32
          scf.yield %while3A_181 : i32
        }
        %while3A_158 = arith.constant 1 : i32
        %while3A_159 = scf.for %while3A_161 = %while3A_155 to %while3A_151 step %while3A_158 iter_args(%while3A_162 = %while3A_157) -> (i32)  : i32 {
          %mul3A_163 = arith.constant 1024 : i32
          %mul3A_164 = arith.muli %while3A_161, %mul3A_163 : i32
          %add3A_165 = arith.addi %multiple_of3A_142, %mul3A_164 : i32
          %dma_start3A_166 = tpu.memref_slice %arg2[%add3A_165] : memref<14156800xi32, #tpu.memory_space<hbm>> -> memref<1024xi32, #tpu.memory_space<hbm>>
          %dma_start3A_167 = tpu.memref_slice %arg2[%add3A_165] : memref<14156800xi32, #tpu.memory_space<hbm>> -> memref<1024xi32, #tpu.memory_space<hbm>>
          tpu.enqueue_dma source(%dma_start3A_167 : memref<1024xi32, #tpu.memory_space<hbm>>) target(%arg6 : memref<1024xi32, #tpu.memory_space<vmem>>) target_semaphore(%arg11 : memref<!tpu.dma_semaphore, #tpu.memory_space<semaphore_mem>>)
          %dma_start3A_168 = tpu.memref_slice %arg3[%add3A_165] : memref<14156800xf32, #tpu.memory_space<hbm>> -> memref<1024xf32, #tpu.memory_space<hbm>>
          %dma_start3A_169 = tpu.memref_slice %arg3[%add3A_165] : memref<14156800xf32, #tpu.memory_space<hbm>> -> memref<1024xf32, #tpu.memory_space<hbm>>
          tpu.enqueue_dma source(%dma_start3A_169 : memref<1024xf32, #tpu.memory_space<hbm>>) target(%arg7 : memref<1024xf32, #tpu.memory_space<vmem>>) target_semaphore(%arg12 : memref<!tpu.dma_semaphore, #tpu.memory_space<semaphore_mem>>)
          %dma_wait3A_170 = tpu.memref_slice %arg2[%add3A_165] : memref<14156800xi32, #tpu.memory_space<hbm>> -> memref<1024xi32, #tpu.memory_space<hbm>>
          %dma_wait3A_171 = tpu.memref_slice %arg2[%add3A_165] : memref<14156800xi32, #tpu.memory_space<hbm>> -> memref<1024xi32, #tpu.memory_space<hbm>>
          tpu.wait_dma2 semaphore(%arg11 : memref<!tpu.dma_semaphore, #tpu.memory_space<semaphore_mem>>) src(%dma_wait3A_171 : memref<1024xi32, #tpu.memory_space<hbm>>) dst(%arg6 : memref<1024xi32, #tpu.memory_space<vmem>>)
          %dma_wait3A_172 = tpu.memref_slice %arg3[%add3A_165] : memref<14156800xf32, #tpu.memory_space<hbm>> -> memref<1024xf32, #tpu.memory_space<hbm>>
          %dma_wait3A_173 = tpu.memref_slice %arg3[%add3A_165] : memref<14156800xf32, #tpu.memory_space<hbm>> -> memref<1024xf32, #tpu.memory_space<hbm>>
          tpu.wait_dma2 semaphore(%arg12 : memref<!tpu.dma_semaphore, #tpu.memory_space<semaphore_mem>>) src(%dma_wait3A_173 : memref<1024xf32, #tpu.memory_space<hbm>>) dst(%arg7 : memref<1024xf32, #tpu.memory_space<vmem>>)
          %scan3A_174 = arith.constant 0 : i32
          %scan3A_175 = arith.constant 0 : i32
          %scan3A_176 = arith.constant 64 : i32
          %scan3A_177 = arith.addi %scan3A_175, %scan3A_176 : i32
          %scan3A_178 = arith.constant 1 : i32
          %scan3A_179 = scf.for %scan3A_182 = %scan3A_175 to %scan3A_177 step %scan3A_178 iter_args(%scan3A_183 = %scan3A_174) -> (i32)  : i32 {
            %mul3A_184 = arith.constant 16 : i32
            %mul3A_185 = arith.muli %scan3A_182, %mul3A_184 : i32
            %add3A_186 = arith.addi %add3A_165, %mul3A_185 : i32
            %add3A_187 = vector.broadcast %add3A_186 : i32 to vector<16xi32>
            %add3A_188 = arith.addi %add3A_187, %iota3A : vector<16xi32>
            %mul3A_189 = arith.constant 16 : i32
            %mul3A_190 = arith.muli %scan3A_182, %mul3A_189 : i32
            %get3A_191 = arith.index_cast %mul3A_190 : i32 to index
            %get3A_192 = tpu.vector_load %arg6[%get3A_191] {strides = array<i32>} : memref<1024xi32, #tpu.memory_space<vmem>>, vector<16xi32>,
            %ge3A = vector.broadcast %add3A_129 : i32 to vector<16xi32>
            %ge3A_193 = arith.cmpi sge, %add3A_188, %ge3A : vector<16xi32>
            %lt3A = vector.broadcast %add3A_137 : i32 to vector<16xi32>
            %lt3A_194 = arith.cmpi slt, %add3A_188, %lt3A : vector<16xi32>
            %and3A_195 = arith.andi %ge3A_193, %lt3A_194 : vector<16xi1>
            %select_n3A_196 = arith.select %and3A_195, %get3A_192, %add3A_3 : vector<16xi1>, vector<16xi32>
            %mul3A_197 = arith.constant 16 : i32
            %mul3A_198 = arith.muli %scan3A_182, %mul3A_197 : i32
            %swap3A = arith.index_cast %mul3A_198 : i32 to index
            %swap3A_199 = tpu.vector_load %arg6[%swap3A] {strides = array<i32>} : memref<1024xi32, #tpu.memory_space<vmem>>, vector<16xi32>,
            tpu.vector_store %arg6[%swap3A], %select_n3A_196 {strides = array<i32>} : memref<1024xi32, #tpu.memory_space<vmem>>, vector<16xi32>,
            %scan3A_200 = arith.constant 0 : i32
            scf.yield %scan3A_200 : i32
          }
          %scan3A_180 = arith.constant 64 : i32
          "tpu.region"() ({
            %run_scoped3A = tpu.sem_alloc : memref<!tpu.dma_semaphore, #tpu.memory_space<semaphore_mem>>
            %dma_start3A_182 = arith.constant 0 : i32
            %dma_start3A_183 = tpu.memref_slice %arg13[%dma_start3A_182] : memref<1048832xf32, #tpu.memory_space<vmem_shared>> -> memref<1048832xf32, #tpu.memory_space<vmem_shared>>
            tpu.enqueue_indirect_dma source(%arg7 : memref<1024xf32, #tpu.memory_space<vmem>>) target(%dma_start3A_183 : memref<1048832xf32, #tpu.memory_space<vmem_shared>>) offsets(%arg6 : memref<1024xi32, #tpu.memory_space<vmem>>) semaphore(%run_scoped3A : memref<!tpu.dma_semaphore, #tpu.memory_space<semaphore_mem>>) {add = true}
            %dma_wait3A_184 = arith.constant 0 : i32
            %dma_wait3A_185 = tpu.memref_slice %arg13[%dma_wait3A_184] : memref<1048832xf32, #tpu.memory_space<vmem_shared>> -> memref<1048832xf32, #tpu.memory_space<vmem_shared>>
            tpu.wait_indirect_dma semaphore(%run_scoped3A : memref<!tpu.dma_semaphore, #tpu.memory_space<semaphore_mem>>) src(%arg7 : memref<1024xf32, #tpu.memory_space<vmem>>) dst(%dma_wait3A_185 : memref<1048832xf32, #tpu.memory_space<vmem_shared>>)
            tpu.yield
          }) : () -> ()
          %while3A_181 = arith.constant 0 : i32
          scf.yield %while3A_181 : i32
        }
        %scan3A_160 = arith.constant 0 : i32
        scf.yield %scan3A_160 : i32
      }
      %scan3A_110 = arith.constant 24 : i32
      %barrier3A_111 = arith.constant 0 : index
      tpu.barrier barrier_id(%barrier3A_111)
      %mul3A_112 = arith.constant 65536 : i32
      %mul3A_113 = arith.muli %arg1, %mul3A_112 : i32
      %mul3A_114 = arith.constant 1048576 : i32
      %mul3A_115 = arith.muli %add3A_21, %mul3A_114 : i32
      %mul3A_116 = arith.constant 65536 : i32
      %mul3A_117 = arith.muli %arg1, %mul3A_116 : i32
      %add3A_118 = arith.addi %mul3A_115, %mul3A_117 : i32
      "tpu.region"() ({
        %run_scoped3A = tpu.sem_alloc : memref<!tpu.dma_semaphore, #tpu.memory_space<semaphore_mem>>
        %dma_start3A_121 = tpu.memref_slice %arg5[%add3A_118] : memref<56623104xf32, #tpu.memory_space<hbm>> -> memref<65536xf32, #tpu.memory_space<hbm>>
        %dma_start3A_122 = tpu.memref_slice %arg13[%mul3A_113] : memref<1048832xf32, #tpu.memory_space<vmem_shared>> -> memref<65536xf32, #tpu.memory_space<vmem_shared>>
        tpu.enqueue_dma source(%dma_start3A_122 : memref<65536xf32, #tpu.memory_space<vmem_shared>>) target(%dma_start3A_121 : memref<65536xf32, #tpu.memory_space<hbm>>) target_semaphore(%run_scoped3A : memref<!tpu.dma_semaphore, #tpu.memory_space<semaphore_mem>>)
        %dma_wait3A_123 = tpu.memref_slice %arg5[%add3A_118] : memref<56623104xf32, #tpu.memory_space<hbm>> -> memref<65536xf32, #tpu.memory_space<hbm>>
        %dma_wait3A_124 = tpu.memref_slice %arg13[%mul3A_113] : memref<1048832xf32, #tpu.memory_space<vmem_shared>> -> memref<65536xf32, #tpu.memory_space<vmem_shared>>
        tpu.wait_dma2 semaphore(%run_scoped3A : memref<!tpu.dma_semaphore, #tpu.memory_space<semaphore_mem>>) src(%dma_wait3A_124 : memref<65536xf32, #tpu.memory_space<vmem_shared>>) dst(%dma_wait3A_123 : memref<65536xf32, #tpu.memory_space<hbm>>)
        tpu.yield
      }) : () -> ()
      %barrier3A_119 = arith.constant 0 : index
      tpu.barrier barrier_id(%barrier3A_119)
      %scan3A_120 = arith.constant 0 : i32
      scf.yield %scan3A_120 : i32
    }
    %scan3A_16 = arith.constant 27 : i32
    return
  }
}

#map = affine_map<(d0, d1) -> (0)>
module attributes {stable_mosaic.version = 14 : i64} {
  func.func @_route_body(%arg0: i32, %arg1: i32, %arg2: memref<14155776xi32, #tpu.memory_space<hbm>>, %arg3: memref<14155776xi32, #tpu.memory_space<hbm>>, %arg4: memref<14156800xi32, #tpu.memory_space<hbm>>, %arg5: memref<14156800xi32, #tpu.memory_space<hbm>>, %arg6: memref<24960xi32, #tpu.memory_space<hbm>>, %arg7: memref<36864xi32, #tpu.memory_space<vmem>>, %arg8: memref<36864xi32, #tpu.memory_space<vmem>>, %arg9: memref<36864xi32, #tpu.memory_space<vmem>>, %arg10: memref<1024xi32, #tpu.memory_space<vmem>>, %arg11: memref<64xi32, #tpu.memory_space<vmem>>, %arg12: memref<64xi32, #tpu.memory_space<vmem>>, %arg13: memref<64xi32, #tpu.memory_space<vmem>>) attributes {dimension_semantics = [#tpu.dimension_semantics<core_parallel>, #tpu.dimension_semantics<subcore_parallel>], iteration_bounds = array<i64: 2, 16>, scalar_prefetch = 0 : i64, scratch_operands = 7 : i64, tpu.core_type = #tpu.core_type<sc_vector_subcore>, window_params = [{transform_indices = #map}, {transform_indices = #map}, {transform_indices = #map}, {transform_indices = #map}, {transform_indices = #map}]} {
    %mul3A = arith.constant 2 : i32
    %mul3A_0 = arith.muli %arg1, %mul3A : i32
    %add3A = arith.addi %mul3A_0, %arg0 : i32
    %mul3A_1 = arith.constant 442368 : i32
    %mul3A_2 = arith.muli %add3A, %mul3A_1 : i32
    %iota3A = tpu.iota {dimensions = array<i32: 0>} : vector<16xi32>
    %mul3A_3 = arith.constant 64 : i32
    %mul3A_4 = vector.broadcast %mul3A_3 : i32 to vector<16xi32>
    %mul3A_5 = arith.muli %iota3A, %mul3A_4 : vector<16xi32>
    %broadcast_in_dim3A = arith.constant 1 : i32
    %broadcast_in_dim3A_6 = vector.broadcast %broadcast_in_dim3A : i32 to vector<16xi32>
    %scan3A = arith.constant 1048575 : i32
    %scan3A_7 = arith.constant 0 : i32
    %scan3A_8 = arith.constant 0 : i32
    %scan3A_9 = arith.constant 12 : i32
    %scan3A_10 = arith.addi %scan3A_8, %scan3A_9 : i32
    %scan3A_11 = arith.constant 1 : i32
    %scan3A_12 = scf.for %scan3A_14 = %scan3A_8 to %scan3A_10 step %scan3A_11 iter_args(%scan3A_15 = %scan3A_7) -> (i32)  : i32 {
      %mul3A_16 = arith.constant 12 : i32
      %mul3A_17 = arith.muli %add3A, %mul3A_16 : i32
      %add3A_18 = arith.addi %mul3A_17, %scan3A_14 : i32
      %mul3A_19 = arith.constant 36864 : i32
      %mul3A_20 = arith.muli %scan3A_14, %mul3A_19 : i32
      %add3A_21 = arith.addi %mul3A_2, %mul3A_20 : i32
      "tpu.region"() ({
        %run_scoped3A = tpu.sem_alloc : memref<!tpu.dma_semaphore, #tpu.memory_space<semaphore_mem>>
        %dma_start3A = tpu.memref_slice %arg2[%add3A_21] : memref<14155776xi32, #tpu.memory_space<hbm>> -> memref<36864xi32, #tpu.memory_space<hbm>>
        %dma_start3A_355 = tpu.memref_slice %arg2[%add3A_21] : memref<14155776xi32, #tpu.memory_space<hbm>> -> memref<36864xi32, #tpu.memory_space<hbm>>
        tpu.enqueue_dma source(%dma_start3A_355 : memref<36864xi32, #tpu.memory_space<hbm>>) target(%arg7 : memref<36864xi32, #tpu.memory_space<vmem>>) target_semaphore(%run_scoped3A : memref<!tpu.dma_semaphore, #tpu.memory_space<semaphore_mem>>)
        %dma_wait3A = tpu.memref_slice %arg2[%add3A_21] : memref<14155776xi32, #tpu.memory_space<hbm>> -> memref<36864xi32, #tpu.memory_space<hbm>>
        %dma_wait3A_356 = tpu.memref_slice %arg2[%add3A_21] : memref<14155776xi32, #tpu.memory_space<hbm>> -> memref<36864xi32, #tpu.memory_space<hbm>>
        tpu.wait_dma2 semaphore(%run_scoped3A : memref<!tpu.dma_semaphore, #tpu.memory_space<semaphore_mem>>) src(%dma_wait3A_356 : memref<36864xi32, #tpu.memory_space<hbm>>) dst(%arg7 : memref<36864xi32, #tpu.memory_space<vmem>>)
        tpu.yield
      }) : () -> ()
      %scan3A_22 = arith.constant 0 : i32
      %scan3A_23 = arith.constant 0 : i32
      %scan3A_24 = arith.constant 64 : i32
      %scan3A_25 = arith.addi %scan3A_23, %scan3A_24 : i32
      %scan3A_26 = arith.constant 1 : i32
      %scan3A_27 = scf.for %scan3A_355 = %scan3A_23 to %scan3A_25 step %scan3A_26 iter_args(%scan3A_356 = %scan3A_22) -> (i32)  : i32 {
        %broadcast_in_dim3A_357 = arith.constant 0 : i32
        %broadcast_in_dim3A_358 = vector.broadcast %broadcast_in_dim3A_357 : i32 to vector<16xi32>
        %mul3A_359 = arith.constant 16 : i32
        %mul3A_360 = arith.muli %scan3A_355, %mul3A_359 : i32
        %swap3A_361 = arith.index_cast %mul3A_360 : i32 to index
        %swap3A_362 = tpu.vector_load %arg10[%swap3A_361] {strides = array<i32>} : memref<1024xi32, #tpu.memory_space<vmem>>, vector<16xi32>,
        tpu.vector_store %arg10[%swap3A_361], %broadcast_in_dim3A_358 {strides = array<i32>} : memref<1024xi32, #tpu.memory_space<vmem>>, vector<16xi32>,
        %scan3A_363 = arith.constant 0 : i32
        scf.yield %scan3A_363 : i32
      }
      %scan3A_28 = arith.constant 64 : i32
      %scan3A_29 = arith.constant 0 : i32
      %scan3A_30 = arith.constant 0 : i32
      %scan3A_31 = arith.constant 2304 : i32
      %scan3A_32 = arith.addi %scan3A_30, %scan3A_31 : i32
      %scan3A_33 = arith.constant 1 : i32
      %scan3A_34 = scf.for %scan3A_355 = %scan3A_30 to %scan3A_32 step %scan3A_33 iter_args(%scan3A_356 = %scan3A_29) -> (i32)  : i32 {
        %mul3A_357 = arith.constant 16 : i32
        %mul3A_358 = arith.muli %scan3A_355, %mul3A_357 : i32
        %get3A_359 = arith.index_cast %mul3A_358 : i32 to index
        %get3A_360 = tpu.vector_load %arg7[%get3A_359] {strides = array<i32>} : memref<36864xi32, #tpu.memory_space<vmem>>, vector<16xi32>,
        %shift_right_logical3A = arith.constant 20 : i32
        %shift_right_logical3A_361 = vector.broadcast %shift_right_logical3A : i32 to vector<16xi32>
        %shift_right_logical3A_362 = arith.shrui %get3A_360, %shift_right_logical3A_361 : vector<16xi32>
        %add3A_363 = arith.addi %shift_right_logical3A_362, %mul3A_5 : vector<16xi32>
        tpu.vector_store_idx %arg10[%add3A_363], %broadcast_in_dim3A_6 {add = true} : memref<1024xi32, #tpu.memory_space<vmem>>[vector<16xi32>], vector<16xi32>,
        %scan3A_364 = arith.constant 0 : i32
        scf.yield %scan3A_364 : i32
      }
      %scan3A_35 = arith.constant 2304 : i32
      %broadcast_in_dim3A_36 = arith.constant 0 : i32
      %broadcast_in_dim3A_37 = vector.broadcast %broadcast_in_dim3A_36 : i32 to vector<16xi32>
      %get3A = arith.constant 0 : index
      %get3A_38 = tpu.vector_load %arg10[%get3A] {strides = array<i32>} : memref<1024xi32, #tpu.memory_space<vmem>>, vector<16xi32>,
      %add3A_39 = arith.addi %broadcast_in_dim3A_37, %get3A_38 : vector<16xi32>
      %get3A_40 = arith.constant 64 : index
      %get3A_41 = tpu.vector_load %arg10[%get3A_40] {strides = array<i32>} : memref<1024xi32, #tpu.memory_space<vmem>>, vector<16xi32>,
      %add3A_42 = arith.addi %add3A_39, %get3A_41 : vector<16xi32>
      %get3A_43 = arith.constant 128 : index
      %get3A_44 = tpu.vector_load %arg10[%get3A_43] {strides = array<i32>} : memref<1024xi32, #tpu.memory_space<vmem>>, vector<16xi32>,
      %add3A_45 = arith.addi %add3A_42, %get3A_44 : vector<16xi32>
      %get3A_46 = arith.constant 192 : index
      %get3A_47 = tpu.vector_load %arg10[%get3A_46] {strides = array<i32>} : memref<1024xi32, #tpu.memory_space<vmem>>, vector<16xi32>,
      %add3A_48 = arith.addi %add3A_45, %get3A_47 : vector<16xi32>
      %get3A_49 = arith.constant 256 : index
      %get3A_50 = tpu.vector_load %arg10[%get3A_49] {strides = array<i32>} : memref<1024xi32, #tpu.memory_space<vmem>>, vector<16xi32>,
      %add3A_51 = arith.addi %add3A_48, %get3A_50 : vector<16xi32>
      %get3A_52 = arith.constant 320 : index
      %get3A_53 = tpu.vector_load %arg10[%get3A_52] {strides = array<i32>} : memref<1024xi32, #tpu.memory_space<vmem>>, vector<16xi32>,
      %add3A_54 = arith.addi %add3A_51, %get3A_53 : vector<16xi32>
      %get3A_55 = arith.constant 384 : index
      %get3A_56 = tpu.vector_load %arg10[%get3A_55] {strides = array<i32>} : memref<1024xi32, #tpu.memory_space<vmem>>, vector<16xi32>,
      %add3A_57 = arith.addi %add3A_54, %get3A_56 : vector<16xi32>
      %get3A_58 = arith.constant 448 : index
      %get3A_59 = tpu.vector_load %arg10[%get3A_58] {strides = array<i32>} : memref<1024xi32, #tpu.memory_space<vmem>>, vector<16xi32>,
      %add3A_60 = arith.addi %add3A_57, %get3A_59 : vector<16xi32>
      %get3A_61 = arith.constant 512 : index
      %get3A_62 = tpu.vector_load %arg10[%get3A_61] {strides = array<i32>} : memref<1024xi32, #tpu.memory_space<vmem>>, vector<16xi32>,
      %add3A_63 = arith.addi %add3A_60, %get3A_62 : vector<16xi32>
      %get3A_64 = arith.constant 576 : index
      %get3A_65 = tpu.vector_load %arg10[%get3A_64] {strides = array<i32>} : memref<1024xi32, #tpu.memory_space<vmem>>, vector<16xi32>,
      %add3A_66 = arith.addi %add3A_63, %get3A_65 : vector<16xi32>
      %get3A_67 = arith.constant 640 : index
      %get3A_68 = tpu.vector_load %arg10[%get3A_67] {strides = array<i32>} : memref<1024xi32, #tpu.memory_space<vmem>>, vector<16xi32>,
      %add3A_69 = arith.addi %add3A_66, %get3A_68 : vector<16xi32>
      %get3A_70 = arith.constant 704 : index
      %get3A_71 = tpu.vector_load %arg10[%get3A_70] {strides = array<i32>} : memref<1024xi32, #tpu.memory_space<vmem>>, vector<16xi32>,
      %add3A_72 = arith.addi %add3A_69, %get3A_71 : vector<16xi32>
      %get3A_73 = arith.constant 768 : index
      %get3A_74 = tpu.vector_load %arg10[%get3A_73] {strides = array<i32>} : memref<1024xi32, #tpu.memory_space<vmem>>, vector<16xi32>,
      %add3A_75 = arith.addi %add3A_72, %get3A_74 : vector<16xi32>
      %get3A_76 = arith.constant 832 : index
      %get3A_77 = tpu.vector_load %arg10[%get3A_76] {strides = array<i32>} : memref<1024xi32, #tpu.memory_space<vmem>>, vector<16xi32>,
      %add3A_78 = arith.addi %add3A_75, %get3A_77 : vector<16xi32>
      %get3A_79 = arith.constant 896 : index
      %get3A_80 = tpu.vector_load %arg10[%get3A_79] {strides = array<i32>} : memref<1024xi32, #tpu.memory_space<vmem>>, vector<16xi32>,
      %add3A_81 = arith.addi %add3A_78, %get3A_80 : vector<16xi32>
      %get3A_82 = arith.constant 960 : index
      %get3A_83 = tpu.vector_load %arg10[%get3A_82] {strides = array<i32>} : memref<1024xi32, #tpu.memory_space<vmem>>, vector<16xi32>,
      %add3A_84 = arith.addi %add3A_81, %get3A_83 : vector<16xi32>
      %broadcast_in_dim3A_85 = arith.constant true
      %broadcast_in_dim3A_86 = vector.broadcast %broadcast_in_dim3A_85 : i1 to vector<16xi1>
      %masked_cumsum3A = tpu.scan <sum>, %add3A_84 masked %broadcast_in_dim3A_86 : vector<16xi32>, vector<16xi1> -> vector<16xi32>
      %sub3A = arith.subi %masked_cumsum3A, %add3A_84 : vector<16xi32>
      %add3A_87 = arith.constant 0 : i32
      %add3A_88 = vector.broadcast %add3A_87 : i32 to vector<16xi32>
      %add3A_89 = arith.addi %sub3A, %add3A_88 : vector<16xi32>
      %swap3A = arith.constant 0 : index
      %swap3A_90 = tpu.vector_load %arg11[%swap3A] {strides = array<i32>} : memref<64xi32, #tpu.memory_space<vmem>>, vector<16xi32>,
      tpu.vector_store %arg11[%swap3A], %add3A_89 {strides = array<i32>} : memref<64xi32, #tpu.memory_space<vmem>>, vector<16xi32>,
      %swap3A_91 = arith.constant 0 : index
      %swap3A_92 = tpu.vector_load %arg12[%swap3A_91] {strides = array<i32>} : memref<64xi32, #tpu.memory_space<vmem>>, vector<16xi32>,
      tpu.vector_store %arg12[%swap3A_91], %add3A_89 {strides = array<i32>} : memref<64xi32, #tpu.memory_space<vmem>>, vector<16xi32>,
      %add3A_93 = arith.constant 0 : i32
      %add3A_94 = vector.broadcast %add3A_93 : i32 to vector<16xi32>
      %add3A_95 = arith.addi %add3A_94, %iota3A : vector<16xi32>
      %mul3A_96 = arith.constant 384 : i32
      %mul3A_97 = vector.broadcast %mul3A_96 : i32 to vector<16xi32>
      %mul3A_98 = arith.muli %add3A_95, %mul3A_97 : vector<16xi32>
      %add3A_99 = vector.broadcast %add3A_18 : i32 to vector<16xi32>
      %add3A_100 = arith.addi %mul3A_98, %add3A_99 : vector<16xi32>
      %swap3A_101 = arith.constant 0 : index
      %swap3A_102 = tpu.vector_load %arg13[%swap3A_101] {strides = array<i32>} : memref<64xi32, #tpu.memory_space<vmem>>, vector<16xi32>,
      tpu.vector_store %arg13[%swap3A_101], %add3A_100 {strides = array<i32>} : memref<64xi32, #tpu.memory_space<vmem>>, vector<16xi32>,
      %reduce_sum3A = arith.constant true
      %reduce_sum3A_103 = vector.broadcast %reduce_sum3A : i1 to vector<16xi1>
      %reduce_sum3A_104 = tpu.scan <sum>, %add3A_84 masked %reduce_sum3A_103 : vector<16xi32>, vector<16xi1> -> vector<16xi32>
      %reduce_sum3A_105 = vector.extract %reduce_sum3A_104[15] : i32 from vector<16xi32>
      %add3A_106 = arith.constant 0 : i32
      %add3A_107 = arith.addi %add3A_106, %reduce_sum3A_105 : i32
      %broadcast_in_dim3A_108 = arith.constant 0 : i32
      %broadcast_in_dim3A_109 = vector.broadcast %broadcast_in_dim3A_108 : i32 to vector<16xi32>
      %get3A_110 = arith.constant 16 : index
      %get3A_111 = tpu.vector_load %arg10[%get3A_110] {strides = array<i32>} : memref<1024xi32, #tpu.memory_space<vmem>>, vector<16xi32>,
      %add3A_112 = arith.addi %broadcast_in_dim3A_109, %get3A_111 : vector<16xi32>
      %get3A_113 = arith.constant 80 : index
      %get3A_114 = tpu.vector_load %arg10[%get3A_113] {strides = array<i32>} : memref<1024xi32, #tpu.memory_space<vmem>>, vector<16xi32>,
      %add3A_115 = arith.addi %add3A_112, %get3A_114 : vector<16xi32>
      %get3A_116 = arith.constant 144 : index
      %get3A_117 = tpu.vector_load %arg10[%get3A_116] {strides = array<i32>} : memref<1024xi32, #tpu.memory_space<vmem>>, vector<16xi32>,
      %add3A_118 = arith.addi %add3A_115, %get3A_117 : vector<16xi32>
      %get3A_119 = arith.constant 208 : index
      %get3A_120 = tpu.vector_load %arg10[%get3A_119] {strides = array<i32>} : memref<1024xi32, #tpu.memory_space<vmem>>, vector<16xi32>,
      %add3A_121 = arith.addi %add3A_118, %get3A_120 : vector<16xi32>
      %get3A_122 = arith.constant 272 : index
      %get3A_123 = tpu.vector_load %arg10[%get3A_122] {strides = array<i32>} : memref<1024xi32, #tpu.memory_space<vmem>>, vector<16xi32>,
      %add3A_124 = arith.addi %add3A_121, %get3A_123 : vector<16xi32>
      %get3A_125 = arith.constant 336 : index
      %get3A_126 = tpu.vector_load %arg10[%get3A_125] {strides = array<i32>} : memref<1024xi32, #tpu.memory_space<vmem>>, vector<16xi32>,
      %add3A_127 = arith.addi %add3A_124, %get3A_126 : vector<16xi32>
      %get3A_128 = arith.constant 400 : index
      %get3A_129 = tpu.vector_load %arg10[%get3A_128] {strides = array<i32>} : memref<1024xi32, #tpu.memory_space<vmem>>, vector<16xi32>,
      %add3A_130 = arith.addi %add3A_127, %get3A_129 : vector<16xi32>
      %get3A_131 = arith.constant 464 : index
      %get3A_132 = tpu.vector_load %arg10[%get3A_131] {strides = array<i32>} : memref<1024xi32, #tpu.memory_space<vmem>>, vector<16xi32>,
      %add3A_133 = arith.addi %add3A_130, %get3A_132 : vector<16xi32>
      %get3A_134 = arith.constant 528 : index
      %get3A_135 = tpu.vector_load %arg10[%get3A_134] {strides = array<i32>} : memref<1024xi32, #tpu.memory_space<vmem>>, vector<16xi32>,
      %add3A_136 = arith.addi %add3A_133, %get3A_135 : vector<16xi32>
      %get3A_137 = arith.constant 592 : index
      %get3A_138 = tpu.vector_load %arg10[%get3A_137] {strides = array<i32>} : memref<1024xi32, #tpu.memory_space<vmem>>, vector<16xi32>,
      %add3A_139 = arith.addi %add3A_136, %get3A_138 : vector<16xi32>
      %get3A_140 = arith.constant 656 : index
      %get3A_141 = tpu.vector_load %arg10[%get3A_140] {strides = array<i32>} : memref<1024xi32, #tpu.memory_space<vmem>>, vector<16xi32>,
      %add3A_142 = arith.addi %add3A_139, %get3A_141 : vector<16xi32>
      %get3A_143 = arith.constant 720 : index
      %get3A_144 = tpu.vector_load %arg10[%get3A_143] {strides = array<i32>} : memref<1024xi32, #tpu.memory_space<vmem>>, vector<16xi32>,
      %add3A_145 = arith.addi %add3A_142, %get3A_144 : vector<16xi32>
      %get3A_146 = arith.constant 784 : index
      %get3A_147 = tpu.vector_load %arg10[%get3A_146] {strides = array<i32>} : memref<1024xi32, #tpu.memory_space<vmem>>, vector<16xi32>,
      %add3A_148 = arith.addi %add3A_145, %get3A_147 : vector<16xi32>
      %get3A_149 = arith.constant 848 : index
      %get3A_150 = tpu.vector_load %arg10[%get3A_149] {strides = array<i32>} : memref<1024xi32, #tpu.memory_space<vmem>>, vector<16xi32>,
      %add3A_151 = arith.addi %add3A_148, %get3A_150 : vector<16xi32>
      %get3A_152 = arith.constant 912 : index
      %get3A_153 = tpu.vector_load %arg10[%get3A_152] {strides = array<i32>} : memref<1024xi32, #tpu.memory_space<vmem>>, vector<16xi32>,
      %add3A_154 = arith.addi %add3A_151, %get3A_153 : vector<16xi32>
      %get3A_155 = arith.constant 976 : index
      %get3A_156 = tpu.vector_load %arg10[%get3A_155] {strides = array<i32>} : memref<1024xi32, #tpu.memory_space<vmem>>, vector<16xi32>,
      %add3A_157 = arith.addi %add3A_154, %get3A_156 : vector<16xi32>
      %broadcast_in_dim3A_158 = arith.constant true
      %broadcast_in_dim3A_159 = vector.broadcast %broadcast_in_dim3A_158 : i1 to vector<16xi1>
      %masked_cumsum3A_160 = tpu.scan <sum>, %add3A_157 masked %broadcast_in_dim3A_159 : vector<16xi32>, vector<16xi1> -> vector<16xi32>
      %sub3A_161 = arith.subi %masked_cumsum3A_160, %add3A_157 : vector<16xi32>
      %add3A_162 = vector.broadcast %add3A_107 : i32 to vector<16xi32>
      %add3A_163 = arith.addi %sub3A_161, %add3A_162 : vector<16xi32>
      %swap3A_164 = arith.constant 16 : index
      %swap3A_165 = tpu.vector_load %arg11[%swap3A_164] {strides = array<i32>} : memref<64xi32, #tpu.memory_space<vmem>>, vector<16xi32>,
      tpu.vector_store %arg11[%swap3A_164], %add3A_163 {strides = array<i32>} : memref<64xi32, #tpu.memory_space<vmem>>, vector<16xi32>,
      %swap3A_166 = arith.constant 16 : index
      %swap3A_167 = tpu.vector_load %arg12[%swap3A_166] {strides = array<i32>} : memref<64xi32, #tpu.memory_space<vmem>>, vector<16xi32>,
      tpu.vector_store %arg12[%swap3A_166], %add3A_163 {strides = array<i32>} : memref<64xi32, #tpu.memory_space<vmem>>, vector<16xi32>,
      %add3A_168 = arith.constant 16 : i32
      %add3A_169 = vector.broadcast %add3A_168 : i32 to vector<16xi32>
      %add3A_170 = arith.addi %add3A_169, %iota3A : vector<16xi32>
      %mul3A_171 = arith.constant 384 : i32
      %mul3A_172 = vector.broadcast %mul3A_171 : i32 to vector<16xi32>
      %mul3A_173 = arith.muli %add3A_170, %mul3A_172 : vector<16xi32>
      %add3A_174 = vector.broadcast %add3A_18 : i32 to vector<16xi32>
      %add3A_175 = arith.addi %mul3A_173, %add3A_174 : vector<16xi32>
      %swap3A_176 = arith.constant 16 : index
      %swap3A_177 = tpu.vector_load %arg13[%swap3A_176] {strides = array<i32>} : memref<64xi32, #tpu.memory_space<vmem>>, vector<16xi32>,
      tpu.vector_store %arg13[%swap3A_176], %add3A_175 {strides = array<i32>} : memref<64xi32, #tpu.memory_space<vmem>>, vector<16xi32>,
      %reduce_sum3A_178 = arith.constant true
      %reduce_sum3A_179 = vector.broadcast %reduce_sum3A_178 : i1 to vector<16xi1>
      %reduce_sum3A_180 = tpu.scan <sum>, %add3A_157 masked %reduce_sum3A_179 : vector<16xi32>, vector<16xi1> -> vector<16xi32>
      %reduce_sum3A_181 = vector.extract %reduce_sum3A_180[15] : i32 from vector<16xi32>
      %add3A_182 = arith.addi %add3A_107, %reduce_sum3A_181 : i32
      %broadcast_in_dim3A_183 = arith.constant 0 : i32
      %broadcast_in_dim3A_184 = vector.broadcast %broadcast_in_dim3A_183 : i32 to vector<16xi32>
      %get3A_185 = arith.constant 32 : index
      %get3A_186 = tpu.vector_load %arg10[%get3A_185] {strides = array<i32>} : memref<1024xi32, #tpu.memory_space<vmem>>, vector<16xi32>,
      %add3A_187 = arith.addi %broadcast_in_dim3A_184, %get3A_186 : vector<16xi32>
      %get3A_188 = arith.constant 96 : index
      %get3A_189 = tpu.vector_load %arg10[%get3A_188] {strides = array<i32>} : memref<1024xi32, #tpu.memory_space<vmem>>, vector<16xi32>,
      %add3A_190 = arith.addi %add3A_187, %get3A_189 : vector<16xi32>
      %get3A_191 = arith.constant 160 : index
      %get3A_192 = tpu.vector_load %arg10[%get3A_191] {strides = array<i32>} : memref<1024xi32, #tpu.memory_space<vmem>>, vector<16xi32>,
      %add3A_193 = arith.addi %add3A_190, %get3A_192 : vector<16xi32>
      %get3A_194 = arith.constant 224 : index
      %get3A_195 = tpu.vector_load %arg10[%get3A_194] {strides = array<i32>} : memref<1024xi32, #tpu.memory_space<vmem>>, vector<16xi32>,
      %add3A_196 = arith.addi %add3A_193, %get3A_195 : vector<16xi32>
      %get3A_197 = arith.constant 288 : index
      %get3A_198 = tpu.vector_load %arg10[%get3A_197] {strides = array<i32>} : memref<1024xi32, #tpu.memory_space<vmem>>, vector<16xi32>,
      %add3A_199 = arith.addi %add3A_196, %get3A_198 : vector<16xi32>
      %get3A_200 = arith.constant 352 : index
      %get3A_201 = tpu.vector_load %arg10[%get3A_200] {strides = array<i32>} : memref<1024xi32, #tpu.memory_space<vmem>>, vector<16xi32>,
      %add3A_202 = arith.addi %add3A_199, %get3A_201 : vector<16xi32>
      %get3A_203 = arith.constant 416 : index
      %get3A_204 = tpu.vector_load %arg10[%get3A_203] {strides = array<i32>} : memref<1024xi32, #tpu.memory_space<vmem>>, vector<16xi32>,
      %add3A_205 = arith.addi %add3A_202, %get3A_204 : vector<16xi32>
      %get3A_206 = arith.constant 480 : index
      %get3A_207 = tpu.vector_load %arg10[%get3A_206] {strides = array<i32>} : memref<1024xi32, #tpu.memory_space<vmem>>, vector<16xi32>,
      %add3A_208 = arith.addi %add3A_205, %get3A_207 : vector<16xi32>
      %get3A_209 = arith.constant 544 : index
      %get3A_210 = tpu.vector_load %arg10[%get3A_209] {strides = array<i32>} : memref<1024xi32, #tpu.memory_space<vmem>>, vector<16xi32>,
      %add3A_211 = arith.addi %add3A_208, %get3A_210 : vector<16xi32>
      %get3A_212 = arith.constant 608 : index
      %get3A_213 = tpu.vector_load %arg10[%get3A_212] {strides = array<i32>} : memref<1024xi32, #tpu.memory_space<vmem>>, vector<16xi32>,
      %add3A_214 = arith.addi %add3A_211, %get3A_213 : vector<16xi32>
      %get3A_215 = arith.constant 672 : index
      %get3A_216 = tpu.vector_load %arg10[%get3A_215] {strides = array<i32>} : memref<1024xi32, #tpu.memory_space<vmem>>, vector<16xi32>,
      %add3A_217 = arith.addi %add3A_214, %get3A_216 : vector<16xi32>
      %get3A_218 = arith.constant 736 : index
      %get3A_219 = tpu.vector_load %arg10[%get3A_218] {strides = array<i32>} : memref<1024xi32, #tpu.memory_space<vmem>>, vector<16xi32>,
      %add3A_220 = arith.addi %add3A_217, %get3A_219 : vector<16xi32>
      %get3A_221 = arith.constant 800 : index
      %get3A_222 = tpu.vector_load %arg10[%get3A_221] {strides = array<i32>} : memref<1024xi32, #tpu.memory_space<vmem>>, vector<16xi32>,
      %add3A_223 = arith.addi %add3A_220, %get3A_222 : vector<16xi32>
      %get3A_224 = arith.constant 864 : index
      %get3A_225 = tpu.vector_load %arg10[%get3A_224] {strides = array<i32>} : memref<1024xi32, #tpu.memory_space<vmem>>, vector<16xi32>,
      %add3A_226 = arith.addi %add3A_223, %get3A_225 : vector<16xi32>
      %get3A_227 = arith.constant 928 : index
      %get3A_228 = tpu.vector_load %arg10[%get3A_227] {strides = array<i32>} : memref<1024xi32, #tpu.memory_space<vmem>>, vector<16xi32>,
      %add3A_229 = arith.addi %add3A_226, %get3A_228 : vector<16xi32>
      %get3A_230 = arith.constant 992 : index
      %get3A_231 = tpu.vector_load %arg10[%get3A_230] {strides = array<i32>} : memref<1024xi32, #tpu.memory_space<vmem>>, vector<16xi32>,
      %add3A_232 = arith.addi %add3A_229, %get3A_231 : vector<16xi32>
      %broadcast_in_dim3A_233 = arith.constant true
      %broadcast_in_dim3A_234 = vector.broadcast %broadcast_in_dim3A_233 : i1 to vector<16xi1>
      %masked_cumsum3A_235 = tpu.scan <sum>, %add3A_232 masked %broadcast_in_dim3A_234 : vector<16xi32>, vector<16xi1> -> vector<16xi32>
      %sub3A_236 = arith.subi %masked_cumsum3A_235, %add3A_232 : vector<16xi32>
      %add3A_237 = vector.broadcast %add3A_182 : i32 to vector<16xi32>
      %add3A_238 = arith.addi %sub3A_236, %add3A_237 : vector<16xi32>
      %swap3A_239 = arith.constant 32 : index
      %swap3A_240 = tpu.vector_load %arg11[%swap3A_239] {strides = array<i32>} : memref<64xi32, #tpu.memory_space<vmem>>, vector<16xi32>,
      tpu.vector_store %arg11[%swap3A_239], %add3A_238 {strides = array<i32>} : memref<64xi32, #tpu.memory_space<vmem>>, vector<16xi32>,
      %swap3A_241 = arith.constant 32 : index
      %swap3A_242 = tpu.vector_load %arg12[%swap3A_241] {strides = array<i32>} : memref<64xi32, #tpu.memory_space<vmem>>, vector<16xi32>,
      tpu.vector_store %arg12[%swap3A_241], %add3A_238 {strides = array<i32>} : memref<64xi32, #tpu.memory_space<vmem>>, vector<16xi32>,
      %add3A_243 = arith.constant 32 : i32
      %add3A_244 = vector.broadcast %add3A_243 : i32 to vector<16xi32>
      %add3A_245 = arith.addi %add3A_244, %iota3A : vector<16xi32>
      %mul3A_246 = arith.constant 384 : i32
      %mul3A_247 = vector.broadcast %mul3A_246 : i32 to vector<16xi32>
      %mul3A_248 = arith.muli %add3A_245, %mul3A_247 : vector<16xi32>
      %add3A_249 = vector.broadcast %add3A_18 : i32 to vector<16xi32>
      %add3A_250 = arith.addi %mul3A_248, %add3A_249 : vector<16xi32>
      %swap3A_251 = arith.constant 32 : index
      %swap3A_252 = tpu.vector_load %arg13[%swap3A_251] {strides = array<i32>} : memref<64xi32, #tpu.memory_space<vmem>>, vector<16xi32>,
      tpu.vector_store %arg13[%swap3A_251], %add3A_250 {strides = array<i32>} : memref<64xi32, #tpu.memory_space<vmem>>, vector<16xi32>,
      %reduce_sum3A_253 = arith.constant true
      %reduce_sum3A_254 = vector.broadcast %reduce_sum3A_253 : i1 to vector<16xi1>
      %reduce_sum3A_255 = tpu.scan <sum>, %add3A_232 masked %reduce_sum3A_254 : vector<16xi32>, vector<16xi1> -> vector<16xi32>
      %reduce_sum3A_256 = vector.extract %reduce_sum3A_255[15] : i32 from vector<16xi32>
      %add3A_257 = arith.addi %add3A_182, %reduce_sum3A_256 : i32
      %broadcast_in_dim3A_258 = arith.constant 0 : i32
      %broadcast_in_dim3A_259 = vector.broadcast %broadcast_in_dim3A_258 : i32 to vector<16xi32>
      %get3A_260 = arith.constant 48 : index
      %get3A_261 = tpu.vector_load %arg10[%get3A_260] {strides = array<i32>} : memref<1024xi32, #tpu.memory_space<vmem>>, vector<16xi32>,
      %add3A_262 = arith.addi %broadcast_in_dim3A_259, %get3A_261 : vector<16xi32>
      %get3A_263 = arith.constant 112 : index
      %get3A_264 = tpu.vector_load %arg10[%get3A_263] {strides = array<i32>} : memref<1024xi32, #tpu.memory_space<vmem>>, vector<16xi32>,
      %add3A_265 = arith.addi %add3A_262, %get3A_264 : vector<16xi32>
      %get3A_266 = arith.constant 176 : index
      %get3A_267 = tpu.vector_load %arg10[%get3A_266] {strides = array<i32>} : memref<1024xi32, #tpu.memory_space<vmem>>, vector<16xi32>,
      %add3A_268 = arith.addi %add3A_265, %get3A_267 : vector<16xi32>
      %get3A_269 = arith.constant 240 : index
      %get3A_270 = tpu.vector_load %arg10[%get3A_269] {strides = array<i32>} : memref<1024xi32, #tpu.memory_space<vmem>>, vector<16xi32>,
      %add3A_271 = arith.addi %add3A_268, %get3A_270 : vector<16xi32>
      %get3A_272 = arith.constant 304 : index
      %get3A_273 = tpu.vector_load %arg10[%get3A_272] {strides = array<i32>} : memref<1024xi32, #tpu.memory_space<vmem>>, vector<16xi32>,
      %add3A_274 = arith.addi %add3A_271, %get3A_273 : vector<16xi32>
      %get3A_275 = arith.constant 368 : index
      %get3A_276 = tpu.vector_load %arg10[%get3A_275] {strides = array<i32>} : memref<1024xi32, #tpu.memory_space<vmem>>, vector<16xi32>,
      %add3A_277 = arith.addi %add3A_274, %get3A_276 : vector<16xi32>
      %get3A_278 = arith.constant 432 : index
      %get3A_279 = tpu.vector_load %arg10[%get3A_278] {strides = array<i32>} : memref<1024xi32, #tpu.memory_space<vmem>>, vector<16xi32>,
      %add3A_280 = arith.addi %add3A_277, %get3A_279 : vector<16xi32>
      %get3A_281 = arith.constant 496 : index
      %get3A_282 = tpu.vector_load %arg10[%get3A_281] {strides = array<i32>} : memref<1024xi32, #tpu.memory_space<vmem>>, vector<16xi32>,
      %add3A_283 = arith.addi %add3A_280, %get3A_282 : vector<16xi32>
      %get3A_284 = arith.constant 560 : index
      %get3A_285 = tpu.vector_load %arg10[%get3A_284] {strides = array<i32>} : memref<1024xi32, #tpu.memory_space<vmem>>, vector<16xi32>,
      %add3A_286 = arith.addi %add3A_283, %get3A_285 : vector<16xi32>
      %get3A_287 = arith.constant 624 : index
      %get3A_288 = tpu.vector_load %arg10[%get3A_287] {strides = array<i32>} : memref<1024xi32, #tpu.memory_space<vmem>>, vector<16xi32>,
      %add3A_289 = arith.addi %add3A_286, %get3A_288 : vector<16xi32>
      %get3A_290 = arith.constant 688 : index
      %get3A_291 = tpu.vector_load %arg10[%get3A_290] {strides = array<i32>} : memref<1024xi32, #tpu.memory_space<vmem>>, vector<16xi32>,
      %add3A_292 = arith.addi %add3A_289, %get3A_291 : vector<16xi32>
      %get3A_293 = arith.constant 752 : index
      %get3A_294 = tpu.vector_load %arg10[%get3A_293] {strides = array<i32>} : memref<1024xi32, #tpu.memory_space<vmem>>, vector<16xi32>,
      %add3A_295 = arith.addi %add3A_292, %get3A_294 : vector<16xi32>
      %get3A_296 = arith.constant 816 : index
      %get3A_297 = tpu.vector_load %arg10[%get3A_296] {strides = array<i32>} : memref<1024xi32, #tpu.memory_space<vmem>>, vector<16xi32>,
      %add3A_298 = arith.addi %add3A_295, %get3A_297 : vector<16xi32>
      %get3A_299 = arith.constant 880 : index
      %get3A_300 = tpu.vector_load %arg10[%get3A_299] {strides = array<i32>} : memref<1024xi32, #tpu.memory_space<vmem>>, vector<16xi32>,
      %add3A_301 = arith.addi %add3A_298, %get3A_300 : vector<16xi32>
      %get3A_302 = arith.constant 944 : index
      %get3A_303 = tpu.vector_load %arg10[%get3A_302] {strides = array<i32>} : memref<1024xi32, #tpu.memory_space<vmem>>, vector<16xi32>,
      %add3A_304 = arith.addi %add3A_301, %get3A_303 : vector<16xi32>
      %get3A_305 = arith.constant 1008 : index
      %get3A_306 = tpu.vector_load %arg10[%get3A_305] {strides = array<i32>} : memref<1024xi32, #tpu.memory_space<vmem>>, vector<16xi32>,
      %add3A_307 = arith.addi %add3A_304, %get3A_306 : vector<16xi32>
      %broadcast_in_dim3A_308 = arith.constant true
      %broadcast_in_dim3A_309 = vector.broadcast %broadcast_in_dim3A_308 : i1 to vector<16xi1>
      %masked_cumsum3A_310 = tpu.scan <sum>, %add3A_307 masked %broadcast_in_dim3A_309 : vector<16xi32>, vector<16xi1> -> vector<16xi32>
      %sub3A_311 = arith.subi %masked_cumsum3A_310, %add3A_307 : vector<16xi32>
      %add3A_312 = vector.broadcast %add3A_257 : i32 to vector<16xi32>
      %add3A_313 = arith.addi %sub3A_311, %add3A_312 : vector<16xi32>
      %swap3A_314 = arith.constant 48 : index
      %swap3A_315 = tpu.vector_load %arg11[%swap3A_314] {strides = array<i32>} : memref<64xi32, #tpu.memory_space<vmem>>, vector<16xi32>,
      tpu.vector_store %arg11[%swap3A_314], %add3A_313 {strides = array<i32>} : memref<64xi32, #tpu.memory_space<vmem>>, vector<16xi32>,
      %swap3A_316 = arith.constant 48 : index
      %swap3A_317 = tpu.vector_load %arg12[%swap3A_316] {strides = array<i32>} : memref<64xi32, #tpu.memory_space<vmem>>, vector<16xi32>,
      tpu.vector_store %arg12[%swap3A_316], %add3A_313 {strides = array<i32>} : memref<64xi32, #tpu.memory_space<vmem>>, vector<16xi32>,
      %add3A_318 = arith.constant 48 : i32
      %add3A_319 = vector.broadcast %add3A_318 : i32 to vector<16xi32>
      %add3A_320 = arith.addi %add3A_319, %iota3A : vector<16xi32>
      %mul3A_321 = arith.constant 384 : i32
      %mul3A_322 = vector.broadcast %mul3A_321 : i32 to vector<16xi32>
      %mul3A_323 = arith.muli %add3A_320, %mul3A_322 : vector<16xi32>
      %add3A_324 = vector.broadcast %add3A_18 : i32 to vector<16xi32>
      %add3A_325 = arith.addi %mul3A_323, %add3A_324 : vector<16xi32>
      %swap3A_326 = arith.constant 48 : index
      %swap3A_327 = tpu.vector_load %arg13[%swap3A_326] {strides = array<i32>} : memref<64xi32, #tpu.memory_space<vmem>>, vector<16xi32>,
      tpu.vector_store %arg13[%swap3A_326], %add3A_325 {strides = array<i32>} : memref<64xi32, #tpu.memory_space<vmem>>, vector<16xi32>,
      %reduce_sum3A_328 = arith.constant true
      %reduce_sum3A_329 = vector.broadcast %reduce_sum3A_328 : i1 to vector<16xi1>
      %reduce_sum3A_330 = tpu.scan <sum>, %add3A_307 masked %reduce_sum3A_329 : vector<16xi32>, vector<16xi1> -> vector<16xi32>
      %reduce_sum3A_331 = vector.extract %reduce_sum3A_330[15] : i32 from vector<16xi32>
      %add3A_332 = arith.addi %add3A_257, %reduce_sum3A_331 : i32
      "tpu.region"() ({
        %run_scoped3A = tpu.sem_alloc : memref<!tpu.dma_semaphore, #tpu.memory_space<semaphore_mem>>
        %dma_start3A = arith.constant 0 : i32
        %dma_start3A_355 = tpu.memref_slice %arg6[%dma_start3A] : memref<24960xi32, #tpu.memory_space<hbm>> -> memref<24960xi32, #tpu.memory_space<hbm>>
        tpu.enqueue_indirect_dma source(%arg12 : memref<64xi32, #tpu.memory_space<vmem>>) target(%dma_start3A_355 : memref<24960xi32, #tpu.memory_space<hbm>>) offsets(%arg13 : memref<64xi32, #tpu.memory_space<vmem>>) semaphore(%run_scoped3A : memref<!tpu.dma_semaphore, #tpu.memory_space<semaphore_mem>>)
        %dma_wait3A = arith.constant 0 : i32
        %dma_wait3A_356 = tpu.memref_slice %arg6[%dma_wait3A] : memref<24960xi32, #tpu.memory_space<hbm>> -> memref<24960xi32, #tpu.memory_space<hbm>>
        tpu.wait_indirect_dma semaphore(%run_scoped3A : memref<!tpu.dma_semaphore, #tpu.memory_space<semaphore_mem>>) src(%arg12 : memref<64xi32, #tpu.memory_space<vmem>>) dst(%dma_wait3A_356 : memref<24960xi32, #tpu.memory_space<hbm>>)
        tpu.yield
      }) : () -> ()
      %scan3A_333 = arith.constant 0 : i32
      %scan3A_334 = arith.constant 0 : i32
      %scan3A_335 = arith.constant 2304 : i32
      %scan3A_336 = arith.addi %scan3A_334, %scan3A_335 : i32
      %scan3A_337 = arith.constant 1 : i32
      %scan3A_338 = scf.for %scan3A_355 = %scan3A_334 to %scan3A_336 step %scan3A_337 iter_args(%scan3A_356 = %scan3A_333) -> (i32)  : i32 {
        %mul3A_357 = arith.constant 16 : i32
        %mul3A_358 = arith.muli %scan3A_355, %mul3A_357 : i32
        %get3A_359 = arith.index_cast %mul3A_358 : i32 to index
        %get3A_360 = tpu.vector_load %arg7[%get3A_359] {strides = array<i32>} : memref<36864xi32, #tpu.memory_space<vmem>>, vector<16xi32>,
        %shift_right_logical3A = arith.constant 20 : i32
        %shift_right_logical3A_361 = vector.broadcast %shift_right_logical3A : i32 to vector<16xi32>
        %shift_right_logical3A_362 = arith.shrui %get3A_360, %shift_right_logical3A_361 : vector<16xi32>
        %broadcast_in_dim3A_363 = arith.constant true
        %broadcast_in_dim3A_364 = vector.broadcast %broadcast_in_dim3A_363 : i1 to vector<16xi1>
        %unique3A, %unique3A_365 = tpu.scan_count mask(%broadcast_in_dim3A_364 : vector<16xi1>) value(%shift_right_logical3A_362 : vector<16xi32>) : vector<16xi1>, vector<16xi32>
        %gather3A = tpu.vector_load_idx %arg11[%shift_right_logical3A_362] : memref<64xi32, #tpu.memory_space<vmem>>[vector<16xi32>], vector<16xi32>,
        %add3A_366 = arith.addi %gather3A, %unique3A_365 : vector<16xi32>
        %sub3A_367 = arith.constant 1 : i32
        %sub3A_368 = vector.broadcast %sub3A_367 : i32 to vector<16xi32>
        %sub3A_369 = arith.subi %add3A_366, %sub3A_368 : vector<16xi32>
        %mul3A_370 = arith.constant 16 : i32
        %mul3A_371 = arith.muli %scan3A_355, %mul3A_370 : i32
        %swap3A_372 = arith.index_cast %mul3A_371 : i32 to index
        %swap3A_373 = tpu.vector_load %arg8[%swap3A_372] {strides = array<i32>} : memref<36864xi32, #tpu.memory_space<vmem>>, vector<16xi32>,
        tpu.vector_store %arg8[%swap3A_372], %sub3A_369 {strides = array<i32>} : memref<36864xi32, #tpu.memory_space<vmem>>, vector<16xi32>,
        %and3A = vector.broadcast %scan3A : i32 to vector<16xi32>
        %and3A_374 = arith.andi %get3A_360, %and3A : vector<16xi32>
        tpu.vector_store_idx %arg9[%sub3A_369], %and3A_374 : memref<36864xi32, #tpu.memory_space<vmem>>[vector<16xi32>], vector<16xi32>,
        tpu.vector_store_idx %arg11[%shift_right_logical3A_362], %unique3A_365 masked %unique3A {add = true} : memref<64xi32, #tpu.memory_space<vmem>>[vector<16xi32>], vector<16xi32>, vector<16xi1>
        %scan3A_375 = arith.constant 0 : i32
        scf.yield %scan3A_375 : i32
      }
      %scan3A_339 = arith.constant 2304 : i32
      %mul3A_340 = arith.constant 36864 : i32
      %mul3A_341 = arith.muli %add3A_18, %mul3A_340 : i32
      "tpu.region"() ({
        %run_scoped3A = tpu.sem_alloc : memref<!tpu.dma_semaphore, #tpu.memory_space<semaphore_mem>>
        %dma_start3A = tpu.memref_slice %arg4[%mul3A_341] : memref<14156800xi32, #tpu.memory_space<hbm>> -> memref<36864xi32, #tpu.memory_space<hbm>>
        %dma_start3A_355 = tpu.memref_slice %arg4[%mul3A_341] : memref<14156800xi32, #tpu.memory_space<hbm>> -> memref<36864xi32, #tpu.memory_space<hbm>>
        tpu.enqueue_dma source(%arg9 : memref<36864xi32, #tpu.memory_space<vmem>>) target(%dma_start3A_355 : memref<36864xi32, #tpu.memory_space<hbm>>) target_semaphore(%run_scoped3A : memref<!tpu.dma_semaphore, #tpu.memory_space<semaphore_mem>>)
        %dma_wait3A = tpu.memref_slice %arg4[%mul3A_341] : memref<14156800xi32, #tpu.memory_space<hbm>> -> memref<36864xi32, #tpu.memory_space<hbm>>
        %dma_wait3A_356 = tpu.memref_slice %arg4[%mul3A_341] : memref<14156800xi32, #tpu.memory_space<hbm>> -> memref<36864xi32, #tpu.memory_space<hbm>>
        tpu.wait_dma2 semaphore(%run_scoped3A : memref<!tpu.dma_semaphore, #tpu.memory_space<semaphore_mem>>) src(%arg9 : memref<36864xi32, #tpu.memory_space<vmem>>) dst(%dma_wait3A_356 : memref<36864xi32, #tpu.memory_space<hbm>>)
        tpu.yield
      }) : () -> ()
      %mul3A_342 = arith.constant 36864 : i32
      %mul3A_343 = arith.muli %scan3A_14, %mul3A_342 : i32
      %add3A_344 = arith.addi %mul3A_2, %mul3A_343 : i32
      "tpu.region"() ({
        %run_scoped3A = tpu.sem_alloc : memref<!tpu.dma_semaphore, #tpu.memory_space<semaphore_mem>>
        %dma_start3A = tpu.memref_slice %arg3[%add3A_344] : memref<14155776xi32, #tpu.memory_space<hbm>> -> memref<36864xi32, #tpu.memory_space<hbm>>
        %dma_start3A_355 = tpu.memref_slice %arg3[%add3A_344] : memref<14155776xi32, #tpu.memory_space<hbm>> -> memref<36864xi32, #tpu.memory_space<hbm>>
        tpu.enqueue_dma source(%dma_start3A_355 : memref<36864xi32, #tpu.memory_space<hbm>>) target(%arg7 : memref<36864xi32, #tpu.memory_space<vmem>>) target_semaphore(%run_scoped3A : memref<!tpu.dma_semaphore, #tpu.memory_space<semaphore_mem>>)
        %dma_wait3A = tpu.memref_slice %arg3[%add3A_344] : memref<14155776xi32, #tpu.memory_space<hbm>> -> memref<36864xi32, #tpu.memory_space<hbm>>
        %dma_wait3A_356 = tpu.memref_slice %arg3[%add3A_344] : memref<14155776xi32, #tpu.memory_space<hbm>> -> memref<36864xi32, #tpu.memory_space<hbm>>
        tpu.wait_dma2 semaphore(%run_scoped3A : memref<!tpu.dma_semaphore, #tpu.memory_space<semaphore_mem>>) src(%dma_wait3A_356 : memref<36864xi32, #tpu.memory_space<hbm>>) dst(%arg7 : memref<36864xi32, #tpu.memory_space<vmem>>)
        tpu.yield
      }) : () -> ()
      %scan3A_345 = arith.constant 0 : i32
      %scan3A_346 = arith.constant 0 : i32
      %scan3A_347 = arith.constant 2304 : i32
      %scan3A_348 = arith.addi %scan3A_346, %scan3A_347 : i32
      %scan3A_349 = arith.constant 1 : i32
      %scan3A_350 = scf.for %scan3A_355 = %scan3A_346 to %scan3A_348 step %scan3A_349 iter_args(%scan3A_356 = %scan3A_345) -> (i32)  : i32 {
        %mul3A_357 = arith.constant 16 : i32
        %mul3A_358 = arith.muli %scan3A_355, %mul3A_357 : i32
        %get3A_359 = arith.index_cast %mul3A_358 : i32 to index
        %get3A_360 = tpu.vector_load %arg7[%get3A_359] {strides = array<i32>} : memref<36864xi32, #tpu.memory_space<vmem>>, vector<16xi32>,
        %mul3A_361 = arith.constant 16 : i32
        %mul3A_362 = arith.muli %scan3A_355, %mul3A_361 : i32
        %get3A_363 = arith.index_cast %mul3A_362 : i32 to index
        %get3A_364 = tpu.vector_load %arg8[%get3A_363] {strides = array<i32>} : memref<36864xi32, #tpu.memory_space<vmem>>, vector<16xi32>,
        tpu.vector_store_idx %arg9[%get3A_364], %get3A_360 : memref<36864xi32, #tpu.memory_space<vmem>>[vector<16xi32>], vector<16xi32>,
        %scan3A_365 = arith.constant 0 : i32
        scf.yield %scan3A_365 : i32
      }
      %scan3A_351 = arith.constant 2304 : i32
      %mul3A_352 = arith.constant 36864 : i32
      %mul3A_353 = arith.muli %add3A_18, %mul3A_352 : i32
      "tpu.region"() ({
        %run_scoped3A = tpu.sem_alloc : memref<!tpu.dma_semaphore, #tpu.memory_space<semaphore_mem>>
        %dma_start3A = tpu.memref_slice %arg5[%mul3A_353] : memref<14156800xi32, #tpu.memory_space<hbm>> -> memref<36864xi32, #tpu.memory_space<hbm>>
        %dma_start3A_355 = tpu.memref_slice %arg5[%mul3A_353] : memref<14156800xi32, #tpu.memory_space<hbm>> -> memref<36864xi32, #tpu.memory_space<hbm>>
        tpu.enqueue_dma source(%arg9 : memref<36864xi32, #tpu.memory_space<vmem>>) target(%dma_start3A_355 : memref<36864xi32, #tpu.memory_space<hbm>>) target_semaphore(%run_scoped3A : memref<!tpu.dma_semaphore, #tpu.memory_space<semaphore_mem>>)
        %dma_wait3A = tpu.memref_slice %arg5[%mul3A_353] : memref<14156800xi32, #tpu.memory_space<hbm>> -> memref<36864xi32, #tpu.memory_space<hbm>>
        %dma_wait3A_356 = tpu.memref_slice %arg5[%mul3A_353] : memref<14156800xi32, #tpu.memory_space<hbm>> -> memref<36864xi32, #tpu.memory_space<hbm>>
        tpu.wait_dma2 semaphore(%run_scoped3A : memref<!tpu.dma_semaphore, #tpu.memory_space<semaphore_mem>>) src(%arg9 : memref<36864xi32, #tpu.memory_space<vmem>>) dst(%dma_wait3A_356 : memref<36864xi32, #tpu.memory_space<hbm>>)
        tpu.yield
      }) : () -> ()
      %scan3A_354 = arith.constant 0 : i32
      scf.yield %scan3A_354 : i32
    }
    %scan3A_13 = arith.constant 12 : i32
    return
  }
}

</mosaic_0001>

<sc_bundles>
// kernel: kernel.4.cloned.1.call-start
scs
__scs_entry_jumppad:
0x0: {  	(pc) =	sbr.rel $0x88, $3  }
0x1: {  	(tag) =	ssettag $0x0;
	lr =	simm.s32 $0x1  }
0x2: {  	[smem:$0x3F9F] =	sst lr;
	_ =	strace $0xD0000000  }
0x3: {  	_ = 	snop  }
0x4: {  	_ = 	snop  }
0x5: {  	_ = 	snop  }
0x6: {  	_ = 	snop  }
0x7: {  	_ = 	snop  }
__scs_overlays_trampoline_lowered:
0x8: {  	[smem:$0x3FAE] =	sst s0  }
0x9: {  	[smem:$0x3FAF] =	sst s1  }
0xa: {  	[smem:$0x3FB0] =	sst s2  }
0xb: {  	[smem:$0x3FB1] =	sst s3  }
0xc: {  	[smem:$0x3FB2] =	sst s4  }
0xd: {  	[smem:$0x3FB3] =	sst s5  }
0xe: {  	[smem:$0x3FB4] =	sst s6  }
0xf: {  	[smem:$0x3FB5] =	sst s7  }
0x10: {  	[smem:$0x3FB6] =	sst s8  }
0x11: {  	[smem:$0x3FB7] =	sst s9;
	s0 =	simm.s32 @!p0 $0x0  }
0x12: {  	s1 =	sld [smem:$0x3F9D];
	s0 =	simm.s32 @p0 $0x1  }
0x13: {  	[smem:$0x3FB8] =	sst s0;
	s0 =	simm.s32 @!p1 $0x0  }
0x14: {  	s2 =	sld [smem:$0x3F9C];
	s0 =	simm.s32 @p1 $0x1  }
0x15: {  	[smem:$0x3FB9] =	sst s0;
	s0 =	simm.s32 @!p2 $0x0  }
0x16: {  	s3 =	sld [smem:$0x3FDB];
	s0 =	simm.s32 @p2 $0x1  }
0x17: {  	s4 =	simm.s32 $0x1BF5;
	[smem:$0x3FBB] =	sst s0  }
0x18: {  	s0 =	sld [smem:$0x3F9E];
	_ =	swait.ge [sflag:s4], $0x0  }
0x19: {  	s7 =	sld [smem:$0x3F9F]  }
0x1a: {  	s8 =	sadd.s32 $0xFFFFE003, lr  }
0x1b: {  	s9 =	sadd.s32 $0xFFFFFEF7, lr;
	s5 =	simm.s32 $0xFFFFFFFF;
	p2 =	slt.u32 s8, $0xFFFFF086  }
0x1c: {  	p1 =	slt.u32 s9, $0xF7A;
	s5 =	simm.s32 @!p2 $0x0  }
0x1d: {  	s5 =	simm.s32 @p1 $0x1;
	p0 =	seq.s32 s7, s2  }
0x1e: {  	s7 =	smul.u32 @!p0 $0xF7A, s2;
	p2 =	seq.s32 @!p0 s5, $0x0  }
0x1f: {  	s9 =	smul.u32 $0xF7A, s1;
	s8 =	simm.s32 @!p0 $0x1BF5;
	p2 =	por !p2, p0  }
0x20: {  	[sflag:s8] =	ssyncset.s32 @!p0 $0xFFFFF086;
	s6 =	sadd.s32 @!p0 s3, s7;
	s7 =	simm.s32 @!p0 $0x108  }
0x21: {  	s3 =	sadd.s32 s3, s9;
	s6 =	sadd.s32 @!p0 $0x88, s6;
	s7 =	simm.s32 @p2 $0x1082  }
0x22: {  	[simem:s7], [sflag:s8] =	dma.local @!p0 [hbm:s6], $0xF7A  }
0x23: {  	s9 =	sor.u32 $0xD0000000, s2;
	s6 =	simm.s32 $0x108;
	_ =	swait.ge @!p0 [sflag:s8], $0x0  }
0x24: {  	s3 =	sadd.s32 $0x88, s3;
	s6 =	simm.s32 @!p1 $0x1082;
	[sflag:s4] =	ssyncset.s32 $0xFFFFF086  }
0x25: {  	[simem:s6], [sflag:s4] =	dma.local [hbm:s3], $0xF7A  }
0x26: {  	[smem:$0x3F9F] =	sst s1;
	(tag) =	ssettag s2;
	_ =	strace s9  }
0x27: {  	s1 =	sld [smem:$0x3FAF]  }
0x28: {  	s2 =	sld [smem:$0x3FB0]  }
0x29: {  	s4 =	sld [smem:$0x3FB2]  }
0x2a: {  	p0 =	seq.s32 s5, $0x0;
	s5 =	sld [smem:$0x3FB3]  }
0x2b: {  	s6 =	sld [smem:$0x3FB4]  }
0x2c: {  	s7 =	sld [smem:$0x3FB5]  }
0x2d: {  	s3 =	simm.s32 $0x108;
	s8 =	sld [smem:$0x3FB6]  }
0x2e: {  	s3 =	simm.s32 @!p0 $0x1082;
	s9 =	sld [smem:$0x3FB7]  }
0x2f: {  	lr =	sadd.s32 s0, s3;
	s0 =	sld [smem:$0x3FAE]  }
0x30: {  	s3 =	sld [smem:$0x3FB1]  }
0x31: {  	[smem:$0x3FBA] =	sst s10  }
0x32: {  	s10 =	sld [smem:$0x3FB8];
	_ =	sdelay $0x3  }
0x33: {  	p0 =	seq.s32 s10, $0x1;
	s10 =	sld [smem:$0x3FBA];
	_ =	sdelay $0x3  }
0x34: {  	[smem:$0x3FBA] =	sst s10  }
0x35: {  	s10 =	sld [smem:$0x3FB9];
	_ =	sdelay $0x3  }
0x36: {  	p1 =	seq.s32 s10, $0x1;
	s10 =	sld [smem:$0x3FBA];
	_ =	sdelay $0x3  }
0x37: {  	[smem:$0x3FBA] =	sst s10  }
0x38: {  	s10 =	sld [smem:$0x3FBB]  }
0x39: {  	_ = 	snop;
	(pc) =	sbr.ind lr, $3  }
0x3a: {  	_ = 	snop  }
0x3b: {  	_ = 	snop  }
0x3c: {  	p2 =	seq.s32 s10, $0x1;
	s10 =	sld [smem:$0x3FBA]  }
0x3d: {  	_ =	shalt  }
0x3e: {  	_ =	shalt  }
0x3f: {  	_ =	shalt  }
0x40: {  	_ =	shalt  }
0x41: {  	_ =	shalt  }
0x42: {  	_ =	shalt  }
0x43: {  	_ =	shalt  }
0x44: {  	_ =	shalt  }
0x45: {  	_ =	shalt  }
0x46: {  	_ =	shalt  }
0x47: {  	_ =	shalt  }
0x48: {  	_ =	shalt  }
0x49: {  	_ =	shalt  }
0x4a: {  	_ =	shalt  }
0x4b: {  	_ =	shalt  }
0x4c: {  	_ =	shalt  }
0x4d: {  	_ =	shalt  }
0x4e: {  	_ =	shalt  }
0x4f: {  	_ =	shalt  }
0x50: {  	_ =	shalt  }
0x51: {  	_ =	shalt  }
0x52: {  	_ =	shalt  }
0x53: {  	_ =	shalt  }
0x54: {  	_ =	shalt  }
0x55: {  	_ =	shalt  }
0x56: {  	_ =	shalt  }
0x57: {  	_ =	shalt  }
0x58: {  	_ =	shalt  }
0x59: {  	_ =	shalt  }
0x5a: {  	_ =	shalt  }
0x5b: {  	_ =	shalt  }
0x5c: {  	_ =	shalt  }
0x5d: {  	_ =	shalt  }
0x5e: {  	_ =	shalt  }
0x5f: {  	_ =	shalt  }
0x60: {  	_ =	shalt  }
0x61: {  	_ =	shalt  }
0x62: {  	_ =	shalt  }
0x63: {  	_ =	shalt  }
0x64: {  	_ =	shalt  }
0x65: {  	_ =	shalt  }
0x66: {  	_ =	shalt  }
0x67: {  	_ =	shalt  }
0x68: {  	_ =	shalt  }
0x69: {  	_ =	shalt  }
0x6a: {  	_ =	shalt  }
0x6b: {  	_ =	shalt  }
0x6c: {  	_ =	shalt  }
0x6d: {  	_ =	shalt  }
0x6e: {  	_ =	shalt  }
0x6f: {  	_ =	shalt  }
0x70: {  	_ =	shalt  }
0x71: {  	_ =	shalt  }
0x72: {  	_ =	shalt  }
0x73: {  	_ =	shalt  }
0x74: {  	_ =	shalt  }
0x75: {  	_ =	shalt  }
0x76: {  	_ =	shalt  }
0x77: {  	_ =	shalt  }
0x78: {  	_ =	shalt  }
0x79: {  	_ =	shalt  }
0x7a: {  	_ =	shalt  }
0x7b: {  	_ =	shalt  }
0x7c: {  	_ =	shalt  }
0x7d: {  	_ =	shalt  }
0x7e: {  	_ =	shalt  }
0x7f: {  	_ =	shalt  }
0x80: {  	_ =	shalt  }
0x81: {  	_ =	shalt  }
0x82: {  	_ =	shalt  }
0x83: {  	_ =	shalt  }
0x84: {  	_ =	shalt  }
0x85: {  	_ =	shalt  }
0x86: {  	_ =	shalt  }
0x87: {  	_ =	shalt  }
.Lfunc_end0:
.L_simem_size_0:
called_computation.1_lowered:
.L_overlay_start_0:
0x88: {  	s2 =	sld [smem:$0x3FD9]  }
0x89: {  	s3 =	sld [smem:$0x3FFE];
	_ =	sdelay $0x1  }
0x8a: {  	s1 =	srdreg.scid  }
0x8b: {  	s0 =	sand.u32 $0x1, s1  }
0x8c: {  	s17 =	sshll.u32 s0, $0xA;
	s2 =	sadd.s32 s3, s2  }
0x8d: {  	s2 =	sadd.s32 s2, s17  }
0x8e: {  	[smem:$0x3FC6] =	sst s2  }
0x8f: {  	_ = 	snop  }
0x90: {  	s2 =	sld [smem:$0x3FD0];
	(tm) =	ssettm $0x1  }
0x91: {  	s18 =	sld [smem:$0x3FFB];
	_ =	sdelay $0x3  }
0x92: {  	_ =	strace s18  }
0x93: {  	s3 =	sld [smem:$0x3FFC];
	_ =	sdelay $0x3  }
0x94: {  	_ =	strace s3  }
0x95: {  	s3 =	sld [smem:$0x3FFD];
	_ =	sdelay $0x3  }
0x96: {  	_ =	strace s3  }
0x97: {  	_ =	strace $0x8FFFFFFF  }
0x98: {  	s19 =	sld [smem:$0x3FDB];
	_ =	sdelay $0x1  }
0x99: {  	s4 =	simm.s32 $_scs_section_size  }
0x9a: {  	s5 =	simm.s32 $_size__tile_overlayer_lowered;
	s6 =	simm.s32 $_tile_overlayer_lowered  }
0x9b: {  	s22 =	simm.s32 $0x1BFF;
	s21 =	sshll.u32 s6, $0x1;
	s3 =	sadd.s32 s4, s19  }
0x9c: {  	s7 =	simm.s32 $0x0;
	s20 =	sshll.u32 s5, $0x1;
	s5 =	sadd.s32 s21, s3  }
0x9d: {  	[timem:s7], [sflag:s22] =	dma.local [hbm:s5], s20  }
0x9e: {  	_ =	swait.ge [sflag:s22], s20  }
0x9f: {  	s4 =	ssub.s32 $0x0, s20;
	[sflag:s22] =	ssyncset.done $0x0  }
0xa0: {  	[sflag:s22] =	ssyncadd.s32 s4;
	_ =	sdelay $0x1  }
0xa1: {  	s23 =	simm.s32 $0x1B8B  }
0xa2: {  	_ =	swait.ge [sflag:s23], $0x1  }
0xa3: {  	[sflag:s23] =	ssyncset.done $0x0  }
0xa4: {  	s25 =	simm.s32 $0x1B8E;
	s24 =	sld [smem:$0x3FFE];
	[sflag:s23] =	ssyncadd.s32 $0xFFFFFFFF  }
0xa5: {  	s26 =	simm.s32 $execute0_lowered;
	[smem:$0x3FD2] =	sst s25  }
0xa6: {  	s5 =	sshll.u32 s26, $0x1;
	_ =	strace $0x80000046;
	[dreg:$0x1] =	wrdreg $0xFFFFFFFF  }
0xa7: {  	s28 =	simm.s32 $_size_execute0_lowered;
	s3 =	sadd.s32 s3, s5;
	[dreg:$0x0] =	wrdreg $0x0  }
0xa8: {  	s5 =	sshll.u32 s28, $0x1;
	[dreg:$0x2] =	wrdreg s3  }
0xa9: {  	[dreg:$0x3] =	wrdreg s5  }
0xaa: {  	[dreg:$0x4] =	wrdreg $0xC0  }
0xab: {  	_ =	task [dreg:s7], $0x5FFFF  }
0xac: {  	[dreg:$0x1] =	wrdreg $0xFFFFFFFF  }
0xad: {  	[dreg:$0x0] =	wrdreg $0x60  }
0xae: {  	[dreg:$0x2] =	wrdreg s24  }
0xaf: {  	[dreg:$0x3] =	wrdreg s2  }
0xb0: {  	[dreg:$0x4] =	wrdreg $0x9  }
0xb1: {  	_ =	task.clear_ibuf [dreg:s7], $0x5FFFF;
	_ =	strace $0x90000046  }
0xb2: {  	s29 =	simm.s32 $0x9;
	_ =	strace $0x80000048  }
0xb3: {  	_ =	swait.ge [sflag:s29], $0x1  }
0xb4: {  	[sflag:s29] =	ssyncadd.s32 $0xFFFFFFFF  }
0xb5: {  	_ =	strace $0x90000048  }
0xb6: {  	_ =	sfence  }
0xb7: {  	s30 =	sld [smem:$0x0];
	_ =	sdelay $0x2  }
0xb8: {  	s31 =	sshll.u32 s1, $0xD;
	s1 =	sshrl.u32 s1, $0x2  }
0xb9: {  	s3 =	sand.u32 $0x4000, s31;
	s1 =	sadd.s32 s1, s30  }
0xba: {  	s0 =	sor.u32 s3, s0;
	s1 =	sshll.u32 s1, $0x11  }
0xbb: {  	s0 =	sor.u32 s1, s0  }
0xbc: {  	s0 =	sadd.s32 $0x8F2B, s0  }
0xbd: {  	[sflag:s0] =	ssyncadd.remote.s32 $0x1  }
0xbe: {  	_ =	sfence.sel $0xFFFF  }
0xbf: {  	[dreg:$0x0] =	wrdreg $0xFFFFFFFF;
	(pc) =	sbr.abs _section_cstart, $3  }
0xc0: {  	[dreg:$0x1] =	wrdreg $0xFFFFFFFF  }
0xc1: {  	_ =	task.clear_ibuf [dreg:s7], $0x2FFFF;
	_ =	strace $0x9FFFFFFF  }
0xc2: {  	(tm) =	ssettm $0x7FFFFFFF  }
0xc3: {  	_ =	shalt  }
tec
execute0_lowered:
.L_overlay_start_1:
0x0: {  	(tag) =	ssettag $0x1  }
0x1: {  	s8 =	rddreg [dreg:$0x0]  }
0x2: {  	s1 =	rddreg [dreg:$0x1]  }
0x3: {  	s0 =	rddreg [dreg:$0x2];
	s3 =	simm.s32 $0x0;
	s5 =	srdreg.scid  }
0x4: {  	s2 =	stileid.u32;
	s12 =	simm.s32 $0x1B000;
	s13 =	simm.s32 $0x40  }
0x5: {  	s14 =	simm.s32 $0x1B500;
	s15 =	simm.s32 $0x1B480;
	s16 =	simm.s32 $0x1B400  }
0x6: {  	s17 =	simm.s32 $0x12000;
	s18 =	simm.s32 $0x0;
	[smem:$0x7FF] =	sst s3  }
0x7: {  	s4 =	sadd.s32 $0x1000, s8;
	s6 =	sand.u32 $0x1, s5;
	s7 =	sshll.u32 s2, $0x1  }
0x8: {  	v2 =	vlaneseq.u32;
	s5 =	sadd.s32 $0x1B1000, s8;
	_ =	strace $0x80000047;
	s9 =	ssub.s32 $0x2, s6  }
0x9: {  	v0 =	vmul.u32 $0x180, v2;
	s10 =	sor.u32 s6, s7;
	s6 =	sadd.s32 $0x361000, s8;
	s11 =	sshrl.u32 s9, $0x1  }
0xa: {  	v1 =	vimm.s32 $0x0;
	v3 =	vimm.s32 $0x1;
	v2 =	vmul.u32 $0x40, v2;
	s8 =	sadd.s32 $0x511200, s8;
	s7 =	smul.u32 $0x6C000, s10;
	s11 =	ssub.s32 s9, s11  }
0xb: {  	v4 =	vadd.s32 $0x1800, v0;
	v5 =	vadd.s32 $0x3000, v0;
	v6 =	vadd.s32 $0x4800, v0;
	s9 =	smul.u32 $0xC, s10;
	s10 =	smax.u32 s11, $0x1;
	s11 =	simm.s32 $0x1  }
.LBB2_1:
0xc: {  	s19 =	simm.s32 $0x0  }
.LBB2_2:
0xd: {  	s20 =	smul.u32 $0x9000, s19;
	_ =	sdelay $0x1  }
0xe: {  	s20 =	sadd.s32 s7, s20  }
0xf: {  	s20 =	sshrl.u32 s20, $0x3  }
0x10: {  	s22 =	simm.s32 $0x0;
	s21 =	sadd.s32 s4, s20  }
0x11: {  	[tilespmem:s22], [sflag:$0x1] =	stream.linear.gather [hbm4b:s21+s22], $0x9000, $0x38;
	[tilespmem:$0x1B580] =	vst v63  }
0x12: {  	_ =	swait.ge [sflag:s11], $0x9000  }
0x13: {  	[sflag:s11] =	ssyncset.done $0x0  }
0x14: {  	s21 =	simm.s32 $0x40;
	s22 =	simm.s32 $0x0;
	[sflag:s11] =	ssyncadd.s32 $0xFFFF7000  }
.LBB2_3:
0x15: {  	p0 =	sne.s32 s21, $0xFC0;
	[tilespmem:s22+$0x1B000] =	vst v1;
	s22 =	smov.u32 s21;
	s21 =	sadd.s32 $0x40, s21  }
.Ltmp0:
0x16: {  	(pc) =	sbr.rel @p0 .LBB2_3-.Ltmp0, $2  }
0x17: {  	_ =	sdelay $0x2  }
0x18: {  	s22 =	sshra.s32 s22, $0x2  }
0x19: {  	[tilespmem:s22+$0x1B000] =	vst v1;
	s22 =	simm.s32 $0x0;
	s21 =	simm.s32 $0x40  }
.LBB2_5:
0x1a: {  	p0 =	sne.s32 s21, $0x23FC0;
	v7 =	vld [tilespmem:s22+$0x0];
	_ =	sdelay $0x4  }
0x1b: {  	v7 =	vshrl.u32 v7, $0x14  }
0x1c: {  	v7 =	vadd.s32 v2, v7  }
.Ltmp1:
0x1d: {  	(pc) =	sbr.rel @p0 .LBB2_5-.Ltmp1, $2  }
0x1e: {  	_ =	sdelay $0x2  }
0x1f: {  	s22 =	sshra.s32 s21, $0x2;
	s21 =	sadd.s32 $0x40, s21;
	[tilespmem:v7+s12+$0x0] =	vst.idx.add.s32.msk $0xffff, v3  }
0x20: {  	v7 =	vld [tilespmem:s22+$0x0];
	_ =	sdelay $0x4  }
0x21: {  	v7 =	vshrl.u32 v7, $0x14  }
0x22: {  	v7 =	vadd.s32 v2, v7;
	_ =	sdelay $0x4  }
0x23: {  	[tilespmem:v7+s12+$0x0] =	vst.idx.add.s32.msk $0xffff, v3  }
0x24: {  	v7 =	vld [tilespmem:$0x1B000]  }
0x25: {  	v8 =	vld [tilespmem:$0x1B040]  }
0x26: {  	v9 =	vld [tilespmem:$0x1B080]  }
0x27: {  	v10 =	vld [tilespmem:$0x1B0C0]  }
0x28: {  	v11 =	vld [tilespmem:$0x1B100]  }
0x29: {  	v12 =	vld [tilespmem:$0x1B140]  }
0x2a: {  	v13 =	vld [tilespmem:$0x1B180]  }
0x2b: {  	v14 =	vld [tilespmem:$0x1B1C0]  }
0x2c: {  	v15 =	vld [tilespmem:$0x1B200]  }
0x2d: {  	v16 =	vld [tilespmem:$0x1B240]  }
0x2e: {  	v17 =	vld [tilespmem:$0x1B280]  }
0x2f: {  	v18 =	vld [tilespmem:$0x1B2C0]  }
0x30: {  	v19 =	vld [tilespmem:$0x1B300]  }
0x31: {  	v20 =	vld [tilespmem:$0x1B340]  }
0x32: {  	v21 =	vld [tilespmem:$0x1B380]  }
0x33: {  	v22 =	vld [tilespmem:$0x1B3C0]  }
0x34: {  	v23 =	vld [tilespmem:$0x1B010]  }
0x35: {  	v24 =	vld [tilespmem:$0x1B050]  }
0x36: {  	v25 =	vld [tilespmem:$0x1B090]  }
0x37: {  	v26 =	vld [tilespmem:$0x1B0D0]  }
0x38: {  	v27 =	vld [tilespmem:$0x1B110]  }
0x39: {  	v28 =	vld [tilespmem:$0x1B150]  }
0x3a: {  	v29 =	vld [tilespmem:$0x1B190]  }
0x3b: {  	v30 =	vld [tilespmem:$0x1B1D0]  }
0x3c: {  	v31 =	vld [tilespmem:$0x1B210]  }
0x3d: {  	v32 =	vld [tilespmem:$0x1B250]  }
0x3e: {  	v33 =	vld [tilespmem:$0x1B290]  }
0x3f: {  	v34 =	vld [tilespmem:$0x1B2D0]  }
0x40: {  	v35 =	vld [tilespmem:$0x1B310]  }
0x41: {  	v36 =	vld [tilespmem:$0x1B350]  }
0x42: {  	v37 =	vld [tilespmem:$0x1B390]  }
0x43: {  	v38 =	vld [tilespmem:$0x1B3D0]  }
0x44: {  	v39 =	vld [tilespmem:$0x1B020]  }
0x45: {  	v40 =	vld [tilespmem:$0x1B060]  }
0x46: {  	v7 =	vadd.s32 v7, v8;
	v8 =	vld [tilespmem:$0x1B0A0]  }
0x47: {  	v59 =	vld [tilespmem:$0x1B0E0];
	v58 =	vadd.s32 v23, v24;
	v7 =	vadd.s32 v9, v7  }
0x48: {  	v60 =	vld [tilespmem:$0x1B120];
	v9 =	vadd.s32 v25, v58;
	v7 =	vadd.s32 v10, v7  }
0x49: {  	v61 =	vld [tilespmem:$0x1B160];
	v9 =	vadd.s32 v26, v9;
	v7 =	vadd.s32 v11, v7  }
0x4a: {  	v63 =	vld [tilespmem:$0x1B1A0];
	v62 =	vadd.s32 v39, v40;
	v9 =	vadd.s32 v27, v9;
	v7 =	vadd.s32 v12, v7  }
0x4b: {  	v9 =	vadd.s32 v28, v9;
	v28 =	vld [tilespmem:$0x1B1E0];
	v7 =	vadd.s32 v13, v7;
	v8 =	vadd.s32 v8, v62  }
0x4c: {  	v9 =	vadd.s32 v29, v9;
	v29 =	vld [tilespmem:$0x1B220];
	v7 =	vadd.s32 v14, v7;
	v8 =	vadd.s32 v59, v8  }
0x4d: {  	v9 =	vadd.s32 v30, v9;
	v30 =	vld [tilespmem:$0x1B260];
	v7 =	vadd.s32 v15, v7;
	v8 =	vadd.s32 v60, v8  }
0x4e: {  	v9 =	vadd.s32 v31, v9;
	v31 =	vld [tilespmem:$0x1B2A0];
	v7 =	vadd.s32 v16, v7;
	v8 =	vadd.s32 v61, v8  }
0x4f: {  	v9 =	vadd.s32 v32, v9;
	v32 =	vld [tilespmem:$0x1B2E0];
	v7 =	vadd.s32 v17, v7;
	v8 =	vadd.s32 v63, v8  }
0x50: {  	v39 =	vld [tilespmem:$0x1B320];
	v9 =	vadd.s32 v33, v9;
	v7 =	vadd.s32 v18, v7;
	v8 =	vadd.s32 v28, v8  }
0x51: {  	v40 =	vld [tilespmem:$0x1B360];
	v9 =	vadd.s32 v34, v9;
	v7 =	vadd.s32 v19, v7;
	v8 =	vadd.s32 v29, v8  }
0x52: {  	v41 =	vld [tilespmem:$0x1B3A0];
	v9 =	vadd.s32 v35, v9;
	v7 =	vadd.s32 v20, v7;
	v8 =	vadd.s32 v30, v8  }
0x53: {  	v42 =	vld [tilespmem:$0x1B3E0];
	v9 =	vadd.s32 v36, v9;
	v7 =	vadd.s32 v21, v7;
	v8 =	vadd.s32 v31, v8  }
0x54: {  	v43 =	vld [tilespmem:$0x1B030];
	v9 =	vadd.s32 v37, v9;
	v7 =	vadd.s32 v22, v7;
	v8 =	vadd.s32 v32, v8  }
0x55: {  	v44 =	vld [tilespmem:$0x1B070];
	v9 =	vadd.s32 v38, v9;
	(xrf0) =	vadd.scan.msk.s32 $0xffff, v7;
	v8 =	vadd.s32 v39, v8  }
0x56: {  	v45 =	vld [tilespmem:$0x1B0B0];
	(xrf0) =	vadd.scan.msk.s32 $0xffff, v9;
	v8 =	vadd.s32 v40, v8  }
0x57: {  	v46 =	vld [tilespmem:$0x1B0F0];
	v8 =	vadd.s32 v41, v8  }
0x58: {  	v47 =	vld [tilespmem:$0x1B130];
	v8 =	vadd.s32 v42, v8  }
0x59: {  	v48 =	vld [tilespmem:$0x1B170];
	(xrf0) =	vadd.scan.msk.s32 $0xffff, v8  }
0x5a: {  	v49 =	vld [tilespmem:$0x1B1B0];
	v12 =	vadd.s32 v43, v44  }
0x5b: {  	v51 =	vld [tilespmem:$0x1B1F0];
	v12 =	vadd.s32 v45, v12;
	v50, _, _ =	vpop (xrf0)  }
0x5c: {  	v53 =	vld [tilespmem:$0x1B230];
	v10 =	vadd.s32 v46, v12;
	v52, _, _ =	vpop (xrf0);
	(v2sf) =	vpush v50, $0xF  }
0x5d: {  	v54 =	vld [tilespmem:$0x1B270];
	v10 =	vadd.s32 v47, v10;
	(v2sf) =	vpush v52, $0xF  }
0x5e: {  	v55 =	vld [tilespmem:$0x1B2B0];
	v10 =	vadd.s32 v48, v10  }
0x5f: {  	v57 =	vld [tilespmem:$0x1B2F0];
	v10 =	vadd.s32 v49, v10;
	v56, _, _ =	vpop (xrf0)  }
0x60: {  	v58 =	vld [tilespmem:$0x1B330];
	v10 =	vadd.s32 v51, v10;
	(v2sf) =	vpush v56, $0xF  }
0x61: {  	v59 =	vld [tilespmem:$0x1B370];
	v10 =	vadd.s32 v53, v10  }
0x62: {  	v60 =	vld [tilespmem:$0x1B3B0];
	v10 =	vadd.s32 v54, v10  }
0x63: {  	v61 =	vld [tilespmem:$0x1B3F0];
	v10 =	vadd.s32 v55, v10  }
0x64: {  	v10 =	vadd.s32 v57, v10  }
0x65: {  	v10 =	vadd.s32 v58, v10  }
0x66: {  	v10 =	vadd.s32 v59, v10  }
0x67: {  	v10 =	vadd.s32 v60, v10;
	v7 =	vsub.s32 v50, v7  }
0x68: {  	v10 =	vadd.s32 v61, v10;
	v62 =	vbroadcast v50, $0xF;
	[tilespmem:$0x1B400] =	vst v7  }
0x69: {  	(xrf0) =	vadd.scan.msk.s32 $0xffff, v10;
	[tilespmem:$0x1B480] =	vst v7;
	v7 =	vsub.s32 v52, v9  }
0x6a: {  	v7 =	vadd.s32 v62, v7  }
0x6b: {  	s21 =	sadd.s32 s9, s19;
	[tilespmem:$0x1B410] =	vst v7;
	s30 =	spop (v2sf)  }
0x6c: {  	v63 =	vadd.s32 s21, v0;
	[tilespmem:$0x1B490] =	vst v7;
	v7 =	vsub.s32 v56, v8;
	v8 =	vadd.s32 s21, v4;
	s23 =	spop (v2sf)  }
0x6d: {  	[tilespmem:$0x1B500] =	vst v63;
	s22 =	sadd.s32 s30, s23  }
0x6e: {  	[tilespmem:$0x1B510] =	vst v8;
	v7 =	vadd.s32 s22, v7  }
0x6f: {  	v8, _, _ =	vpop (xrf0);
	[tilespmem:$0x1B420] =	vst v7;
	s31 =	spop (v2sf)  }
0x70: {  	v8 =	vsub.s32 v8, v10;
	[tilespmem:$0x1B4A0] =	vst v7;
	v7 =	vadd.s32 s21, v5;
	s22 =	sadd.s32 s22, s31  }
0x71: {  	[tilespmem:$0x1B520] =	vst v7;
	v7 =	vadd.s32 s22, v8  }
0x72: {  	[tilespmem:$0x1B430] =	vst v7  }
0x73: {  	[tilespmem:$0x1B4B0] =	vst v7;
	v7 =	vadd.s32 s21, v6  }
0x74: {  	[tilespmem:$0x1B530] =	vst v7  }
0x75: {  	[hbm4b:s8+s13] =	stream.indirect.scatter [tilespmem:s15], [sflag:$0x1], $0x1, s14, s13, $0xb8;
	[tilespmem:$0x1B580] =	vst v63  }
0x76: {  	_ =	swait.ge [sflag:s11], $0x40  }
0x77: {  	[sflag:s11] =	ssyncset.done $0x0  }
0x78: {  	s22 =	simm.s32 $0x0;
	[sflag:s11] =	ssyncadd.s32 $0xFFFFFFC0  }
0x79: {  	s23 =	simm.s32 $0x40;
	v7 =	vld [tilespmem:s22+$0x0]  }
.LBB2_7:
0x7a: {  	p0 =	sne.s32 s23, $0x23FC0;
	_ =	sdelay $0x3  }
0x7b: {  	v8 =	vshrl.u32 v7, $0x14  }
0x7c: {  	(xrf1) =	vunique.msk.u32 $0xffff, v8;
	_ =	sdelay $0x3  }
0x7d: {  	v9 =	vld.idx.msk [tilespmem:v8+s16+$0x0], $0xffff;
	_ =	sdelay $0x9  }
0x7e: {  	_, v10, vm0 =	vpop (xrf1)  }
0x7f: {  	v9 =	vadd.s32 v10, v9  }
0x80: {  	v9 =	vadd.s32 $0xFFFFFFFF, v9;
	_ =	sdelay $0x2  }
.Ltmp2:
0x81: {  	(pc) =	sbr.rel @p0 .LBB2_7-.Ltmp2, $4  }
0x82: {  	v7 =	vand.u32 $0xFFFFF, v7;
	[tilespmem:s22+$0x9000] =	vst v9  }
0x83: {  	[tilespmem:v9+s17+$0x0] =	vst.idx.msk $0xffff, v7  }
0x84: {  	s22 =	sshra.s32 s23, $0x2;
	[tilespmem:v8+s16+$0x0] =	vst.idx.add.s32.msk vm0, v10  }
0x85: {  	s23 =	sadd.s32 $0x40, s23;
	v7 =	vld [tilespmem:s22+$0x0]  }
0x86: {  	_ =	sdelay $0x3  }
0x87: {  	v8 =	vshrl.u32 v7, $0x14  }
0x88: {  	(xrf1) =	vunique.msk.u32 $0xffff, v8;
	_ =	sdelay $0x9  }
0x89: {  	v9 =	vld.idx.msk [tilespmem:v8+s16+$0x0], $0xffff;
	_ =	sdelay $0x3  }
0x8a: {  	_, v10, vm0 =	vpop (xrf1)  }
0x8b: {  	v9 =	vadd.s32 v10, v9  }
0x8c: {  	v9 =	vadd.s32 $0xFFFFFFFF, v9;
	_ =	sdelay $0x3  }
0x8d: {  	s21 =	smul.u32 $0x1200, s21;
	v7 =	vand.u32 $0xFFFFF, v7;
	[tilespmem:s22+$0x9000] =	vst v9  }
0x8e: {  	[tilespmem:v9+s17+$0x0] =	vst.idx.msk $0xffff, v7  }
0x8f: {  	s23 =	simm.s32 $0x0;
	s31 =	sadd.s32 s6, s21;
	[tilespmem:v8+s16+$0x0] =	vst.idx.add.s32.msk vm0, v10  }
0x90: {  	[hbm4b:s31+s23] =	stream.linear.scatter [tilespmem:s17], [sflag:$0x1], $0x9000, $0x38;
	[tilespmem:$0x1B580] =	vst v63  }
0x91: {  	_ =	swait.ge [sflag:s11], $0x9000  }
0x92: {  	[sflag:s11] =	ssyncset.done $0x0  }
0x93: {  	s20 =	sadd.s32 s5, s20;
	[sflag:s11] =	ssyncadd.s32 $0xFFFF7000  }
0x94: {  	[tilespmem:s23], [sflag:$0x1] =	stream.linear.gather [hbm4b:s20+s23], $0x9000, $0x38;
	[tilespmem:$0x1B580] =	vst v63  }
0x95: {  	_ =	swait.ge [sflag:s11], $0x9000  }
0x96: {  	[sflag:s11] =	ssyncset.done $0x0  }
0x97: {  	s22 =	simm.s32 $0x0;
	s20 =	simm.s32 $0x40;
	[sflag:s11] =	ssyncadd.s32 $0xFFFF7000  }
.LBB2_9:
0x98: {  	p0 =	sne.s32 s20, $0x23FC0;
	v7 =	vld [tilespmem:s22+$0x9000];
	_ =	sdelay $0x2  }
0x99: {  	v8 =	vld [tilespmem:s22+$0x0]  }
.Ltmp3:
0x9a: {  	(pc) =	sbr.rel @p0 .LBB2_9-.Ltmp3, $2  }
0x9b: {  	_ =	sdelay $0x2  }
0x9c: {  	s22 =	sshra.s32 s20, $0x2;
	s20 =	sadd.s32 $0x40, s20;
	[tilespmem:v7+s17+$0x0] =	vst.idx.msk $0xffff, v8  }
0x9d: {  	v7 =	vld [tilespmem:s22+$0x9000];
	_ =	sdelay $0x2  }
0x9e: {  	v8 =	vld [tilespmem:s22+$0x0];
	_ =	sdelay $0x2  }
0x9f: {  	s19 =	sadd.s32 $0x1, s19  }
0xa0: {  	p0 =	sne.s32 s19, $0xC  }
.Ltmp4:
0xa1: {  	s20 =	sadd.s32 s1, s21;
	[tilespmem:v7+s17+$0x0] =	vst.idx.msk $0xffff, v8;
	(pc) =	sbr.rel @p0 .LBB2_2-.Ltmp4, $4  }
0xa2: {  	[hbm4b:s20+s3] =	stream.linear.scatter [tilespmem:s17], [sflag:$0x1], $0x9000, $0x38;
	[tilespmem:$0x1B580] =	vst v63  }
0xa3: {  	_ =	swait.ge [sflag:s11], $0x9000  }
0xa4: {  	[sflag:s11] =	ssyncset.done $0x0  }
0xa5: {  	[sflag:s11] =	ssyncadd.s32 $0xFFFF7000  }
0xa6: {  	s18 =	sadd.s32 $0x1, s18  }
0xa7: {  	p0 =	sne.s32 s18, s10  }
.Ltmp5:
0xa8: {  	_ = 	snop;
	(pc) =	sbr.rel @p0 .LBB2_1-.Ltmp5, $1  }
0xa9: {  	_ =	sdelay $0x3  }
0xaa: {  	_ =	sfence.sel $0x180000  }
0xab: {  	[bflag:$0x0] =	sbarrier.arrive $0xFFFF  }
0xac: {  	p0 =	sne.s32 s2, $0x0;
	_ =	strace $0x90000047  }
0xad: {  	s0 =	sadd.s32 @!p0 $0x100000, s0;
	[bflag:$0x2] =	sbarrier.arrive $0xFFFF  }
0xae: {  	[sflag:s0] =	ssyncadd.tile.s32 @!p0 $0x1;
	_ =	shalt  }
.Lfunc_end2:
_tile_overlayer_lowered:
.L_overlay_start_2:
0xaf: {  	(tag) =	ssettag $0x2  }
0xb0: {  	s0 =	rddreg [dreg:$0x0];
	s2 =	stileid.u32  }
0xb1: {  	s1 =	rddreg [dreg:$0x1];
	p0 =	sne.s32 s2, $0x0  }
0xb2: {  	s3 =	rddreg [dreg:$0x2];
	[bflag:$0x3] =	sbarrier.arrive $0xFFFF;
	s2 =	simm.s32 @!p0 $0x1C01  }
0xb3: {  	[timem:s3], [sflag:s2] =	dma.local @!p0 [hbm:s0], s1  }
0xb4: {  	s0 =	simm.s32 @!p0 $0x1  }
0xb5: {  	_ =	swait.ge @!p0 [sflag:s0], s1  }
0xb6: {  	s1 =	ssub.s32 @!p0 $0x0, s1;
	[sflag:s0] =	ssyncset.done @!p0 $0x0  }
0xb7: {  	[sflag:s0] =	ssyncadd.s32 @!p0 s1  }
0xb8: {  	[bflag:$0x3] =	sbarrier.arrive $0xFFFF  }
0xb9: {  	_ =	shalt  }

// kernel: kernel.7.cloned.1.call-start
scs
__scs_entry_jumppad:
0x0: {  	(pc) =	sbr.rel $0x88, $3  }
0x1: {  	(tag) =	ssettag $0x0;
	lr =	simm.s32 $0x1  }
0x2: {  	[smem:$0x3F9F] =	sst lr;
	_ =	strace $0xD0000000  }
0x3: {  	_ = 	snop  }
0x4: {  	_ = 	snop  }
0x5: {  	_ = 	snop  }
0x6: {  	_ = 	snop  }
0x7: {  	_ = 	snop  }
__scs_overlays_trampoline_lowered:
0x8: {  	[smem:$0x3FAE] =	sst s0  }
0x9: {  	[smem:$0x3FAF] =	sst s1  }
0xa: {  	[smem:$0x3FB0] =	sst s2  }
0xb: {  	[smem:$0x3FB1] =	sst s3  }
0xc: {  	[smem:$0x3FB2] =	sst s4  }
0xd: {  	[smem:$0x3FB3] =	sst s5  }
0xe: {  	[smem:$0x3FB4] =	sst s6  }
0xf: {  	[smem:$0x3FB5] =	sst s7  }
0x10: {  	[smem:$0x3FB6] =	sst s8  }
0x11: {  	[smem:$0x3FB7] =	sst s9;
	s0 =	simm.s32 @!p0 $0x0  }
0x12: {  	s1 =	sld [smem:$0x3F9D];
	s0 =	simm.s32 @p0 $0x1  }
0x13: {  	[smem:$0x3FB8] =	sst s0;
	s0 =	simm.s32 @!p1 $0x0  }
0x14: {  	s2 =	sld [smem:$0x3F9C];
	s0 =	simm.s32 @p1 $0x1  }
0x15: {  	[smem:$0x3FB9] =	sst s0;
	s0 =	simm.s32 @!p2 $0x0  }
0x16: {  	s3 =	sld [smem:$0x3FDB];
	s0 =	simm.s32 @p2 $0x1  }
0x17: {  	s4 =	simm.s32 $0x1BF5;
	[smem:$0x3FBB] =	sst s0  }
0x18: {  	s0 =	sld [smem:$0x3F9E];
	_ =	swait.ge [sflag:s4], $0x0  }
0x19: {  	s7 =	sld [smem:$0x3F9F]  }
0x1a: {  	s8 =	sadd.s32 $0xFFFFE003, lr  }
0x1b: {  	s9 =	sadd.s32 $0xFFFFFEF7, lr;
	s5 =	simm.s32 $0xFFFFFFFF;
	p2 =	slt.u32 s8, $0xFFFFF086  }
0x1c: {  	p1 =	slt.u32 s9, $0xF7A;
	s5 =	simm.s32 @!p2 $0x0  }
0x1d: {  	s5 =	simm.s32 @p1 $0x1;
	p0 =	seq.s32 s7, s2  }
0x1e: {  	s7 =	smul.u32 @!p0 $0xF7A, s2;
	p2 =	seq.s32 @!p0 s5, $0x0  }
0x1f: {  	s9 =	smul.u32 $0xF7A, s1;
	s8 =	simm.s32 @!p0 $0x1BF5;
	p2 =	por !p2, p0  }
0x20: {  	[sflag:s8] =	ssyncset.s32 @!p0 $0xFFFFF086;
	s6 =	sadd.s32 @!p0 s3, s7;
	s7 =	simm.s32 @!p0 $0x108  }
0x21: {  	s3 =	sadd.s32 s3, s9;
	s6 =	sadd.s32 @!p0 $0x88, s6;
	s7 =	simm.s32 @p2 $0x1082  }
0x22: {  	[simem:s7], [sflag:s8] =	dma.local @!p0 [hbm:s6], $0xF7A  }
0x23: {  	s9 =	sor.u32 $0xD0000000, s2;
	s6 =	simm.s32 $0x108;
	_ =	swait.ge @!p0 [sflag:s8], $0x0  }
0x24: {  	s3 =	sadd.s32 $0x88, s3;
	s6 =	simm.s32 @!p1 $0x1082;
	[sflag:s4] =	ssyncset.s32 $0xFFFFF086  }
0x25: {  	[simem:s6], [sflag:s4] =	dma.local [hbm:s3], $0xF7A  }
0x26: {  	[smem:$0x3F9F] =	sst s1;
	(tag) =	ssettag s2;
	_ =	strace s9  }
0x27: {  	s1 =	sld [smem:$0x3FAF]  }
0x28: {  	s2 =	sld [smem:$0x3FB0]  }
0x29: {  	s4 =	sld [smem:$0x3FB2]  }
0x2a: {  	p0 =	seq.s32 s5, $0x0;
	s5 =	sld [smem:$0x3FB3]  }
0x2b: {  	s6 =	sld [smem:$0x3FB4]  }
0x2c: {  	s7 =	sld [smem:$0x3FB5]  }
0x2d: {  	s3 =	simm.s32 $0x108;
	s8 =	sld [smem:$0x3FB6]  }
0x2e: {  	s3 =	simm.s32 @!p0 $0x1082;
	s9 =	sld [smem:$0x3FB7]  }
0x2f: {  	lr =	sadd.s32 s0, s3;
	s0 =	sld [smem:$0x3FAE]  }
0x30: {  	s3 =	sld [smem:$0x3FB1]  }
0x31: {  	[smem:$0x3FBA] =	sst s10  }
0x32: {  	s10 =	sld [smem:$0x3FB8];
	_ =	sdelay $0x3  }
0x33: {  	p0 =	seq.s32 s10, $0x1;
	s10 =	sld [smem:$0x3FBA];
	_ =	sdelay $0x3  }
0x34: {  	[smem:$0x3FBA] =	sst s10  }
0x35: {  	s10 =	sld [smem:$0x3FB9];
	_ =	sdelay $0x3  }
0x36: {  	p1 =	seq.s32 s10, $0x1;
	s10 =	sld [smem:$0x3FBA];
	_ =	sdelay $0x3  }
0x37: {  	[smem:$0x3FBA] =	sst s10  }
0x38: {  	s10 =	sld [smem:$0x3FBB]  }
0x39: {  	_ = 	snop;
	(pc) =	sbr.ind lr, $3  }
0x3a: {  	_ = 	snop  }
0x3b: {  	_ = 	snop  }
0x3c: {  	p2 =	seq.s32 s10, $0x1;
	s10 =	sld [smem:$0x3FBA]  }
0x3d: {  	_ =	shalt  }
0x3e: {  	_ =	shalt  }
0x3f: {  	_ =	shalt  }
0x40: {  	_ =	shalt  }
0x41: {  	_ =	shalt  }
0x42: {  	_ =	shalt  }
0x43: {  	_ =	shalt  }
0x44: {  	_ =	shalt  }
0x45: {  	_ =	shalt  }
0x46: {  	_ =	shalt  }
0x47: {  	_ =	shalt  }
0x48: {  	_ =	shalt  }
0x49: {  	_ =	shalt  }
0x4a: {  	_ =	shalt  }
0x4b: {  	_ =	shalt  }
0x4c: {  	_ =	shalt  }
0x4d: {  	_ =	shalt  }
0x4e: {  	_ =	shalt  }
0x4f: {  	_ =	shalt  }
0x50: {  	_ =	shalt  }
0x51: {  	_ =	shalt  }
0x52: {  	_ =	shalt  }
0x53: {  	_ =	shalt  }
0x54: {  	_ =	shalt  }
0x55: {  	_ =	shalt  }
0x56: {  	_ =	shalt  }
0x57: {  	_ =	shalt  }
0x58: {  	_ =	shalt  }
0x59: {  	_ =	shalt  }
0x5a: {  	_ =	shalt  }
0x5b: {  	_ =	shalt  }
0x5c: {  	_ =	shalt  }
0x5d: {  	_ =	shalt  }
0x5e: {  	_ =	shalt  }
0x5f: {  	_ =	shalt  }
0x60: {  	_ =	shalt  }
0x61: {  	_ =	shalt  }
0x62: {  	_ =	shalt  }
0x63: {  	_ =	shalt  }
0x64: {  	_ =	shalt  }
0x65: {  	_ =	shalt  }
0x66: {  	_ =	shalt  }
0x67: {  	_ =	shalt  }
0x68: {  	_ =	shalt  }
0x69: {  	_ =	shalt  }
0x6a: {  	_ =	shalt  }
0x6b: {  	_ =	shalt  }
0x6c: {  	_ =	shalt  }
0x6d: {  	_ =	shalt  }
0x6e: {  	_ =	shalt  }
0x6f: {  	_ =	shalt  }
0x70: {  	_ =	shalt  }
0x71: {  	_ =	shalt  }
0x72: {  	_ =	shalt  }
0x73: {  	_ =	shalt  }
0x74: {  	_ =	shalt  }
0x75: {  	_ =	shalt  }
0x76: {  	_ =	shalt  }
0x77: {  	_ =	shalt  }
0x78: {  	_ =	shalt  }
0x79: {  	_ =	shalt  }
0x7a: {  	_ =	shalt  }
0x7b: {  	_ =	shalt  }
0x7c: {  	_ =	shalt  }
0x7d: {  	_ =	shalt  }
0x7e: {  	_ =	shalt  }
0x7f: {  	_ =	shalt  }
0x80: {  	_ =	shalt  }
0x81: {  	_ =	shalt  }
0x82: {  	_ =	shalt  }
0x83: {  	_ =	shalt  }
0x84: {  	_ =	shalt  }
0x85: {  	_ =	shalt  }
0x86: {  	_ =	shalt  }
0x87: {  	_ =	shalt  }
.Lfunc_end0:
.L_simem_size_0:
called_computation.2_lowered:
.L_overlay_start_0:
0x88: {  	s2 =	sld [smem:$0x3FD9]  }
0x89: {  	s3 =	sld [smem:$0x3FFE];
	_ =	sdelay $0x1  }
0x8a: {  	s1 =	srdreg.scid  }
0x8b: {  	s0 =	sand.u32 $0x1, s1  }
0x8c: {  	s17 =	sshll.u32 s0, $0xA;
	s2 =	sadd.s32 s3, s2  }
0x8d: {  	s2 =	sadd.s32 s2, s17  }
0x8e: {  	[smem:$0x3FC6] =	sst s2  }
0x8f: {  	_ = 	snop  }
0x90: {  	s2 =	sld [smem:$0x3FD0];
	(tm) =	ssettm $0x1  }
0x91: {  	s18 =	sld [smem:$0x3FFB];
	_ =	sdelay $0x3  }
0x92: {  	_ =	strace s18  }
0x93: {  	s3 =	sld [smem:$0x3FFC];
	_ =	sdelay $0x3  }
0x94: {  	_ =	strace s3  }
0x95: {  	s3 =	sld [smem:$0x3FFD];
	_ =	sdelay $0x3  }
0x96: {  	_ =	strace s3  }
0x97: {  	_ =	strace $0x8FFFFFFF  }
0x98: {  	s19 =	sld [smem:$0x3FDB];
	_ =	sdelay $0x1  }
0x99: {  	s4 =	simm.s32 $_scs_section_size  }
0x9a: {  	s5 =	simm.s32 $_size__tile_overlayer_lowered;
	s6 =	simm.s32 $_tile_overlayer_lowered  }
0x9b: {  	s22 =	simm.s32 $0x1BFF;
	s21 =	sshll.u32 s6, $0x1;
	s3 =	sadd.s32 s4, s19  }
0x9c: {  	s7 =	simm.s32 $0x0;
	s20 =	sshll.u32 s5, $0x1;
	s5 =	sadd.s32 s21, s3  }
0x9d: {  	[timem:s7], [sflag:s22] =	dma.local [hbm:s5], s20  }
0x9e: {  	_ =	swait.ge [sflag:s22], s20  }
0x9f: {  	s4 =	ssub.s32 $0x0, s20;
	[sflag:s22] =	ssyncset.done $0x0  }
0xa0: {  	[sflag:s22] =	ssyncadd.s32 s4;
	_ =	sdelay $0x1  }
0xa1: {  	s23 =	simm.s32 $0x1B8B  }
0xa2: {  	_ =	swait.ge [sflag:s23], $0x1  }
0xa3: {  	[sflag:s23] =	ssyncset.done $0x0  }
0xa4: {  	s25 =	simm.s32 $0x1B8E;
	s24 =	sld [smem:$0x3FFE];
	[sflag:s23] =	ssyncadd.s32 $0xFFFFFFFF  }
0xa5: {  	s26 =	simm.s32 $execute0_lowered;
	[smem:$0x3FD2] =	sst s25  }
0xa6: {  	s5 =	sshll.u32 s26, $0x1;
	_ =	strace $0x80000049;
	[dreg:$0x1] =	wrdreg $0xFFFFFFFF  }
0xa7: {  	s28 =	simm.s32 $_size_execute0_lowered;
	s3 =	sadd.s32 s3, s5;
	[dreg:$0x0] =	wrdreg $0x0  }
0xa8: {  	s5 =	sshll.u32 s28, $0x1;
	[dreg:$0x2] =	wrdreg s3  }
0xa9: {  	[dreg:$0x3] =	wrdreg s5  }
0xaa: {  	[dreg:$0x4] =	wrdreg $0xC0  }
0xab: {  	_ =	task [dreg:s7], $0x5FFFF  }
0xac: {  	[dreg:$0x1] =	wrdreg $0xFFFFFFFF  }
0xad: {  	[dreg:$0x0] =	wrdreg $0x60  }
0xae: {  	[dreg:$0x2] =	wrdreg s24  }
0xaf: {  	[dreg:$0x3] =	wrdreg s2  }
0xb0: {  	[dreg:$0x4] =	wrdreg $0x2B000  }
0xb1: {  	[dreg:$0x5] =	wrdreg $0x12B100  }
0xb2: {  	[dreg:$0x6] =	wrdreg $0x9  }
0xb3: {  	_ =	task.clear_ibuf [dreg:s7], $0x7FFFF;
	_ =	strace $0x90000049  }
0xb4: {  	s29 =	simm.s32 $0x9;
	_ =	strace $0x8000004B  }
0xb5: {  	_ =	swait.ge [sflag:s29], $0x1  }
0xb6: {  	[sflag:s29] =	ssyncadd.s32 $0xFFFFFFFF  }
0xb7: {  	_ =	strace $0x9000004B  }
0xb8: {  	_ =	sfence  }
0xb9: {  	s30 =	sld [smem:$0x0];
	_ =	sdelay $0x2  }
0xba: {  	s31 =	sshll.u32 s1, $0xD;
	s1 =	sshrl.u32 s1, $0x2  }
0xbb: {  	s3 =	sand.u32 $0x4000, s31;
	s1 =	sadd.s32 s1, s30  }
0xbc: {  	s0 =	sor.u32 s3, s0;
	s1 =	sshll.u32 s1, $0x11  }
0xbd: {  	s0 =	sor.u32 s1, s0  }
0xbe: {  	s0 =	sadd.s32 $0x8F2B, s0  }
0xbf: {  	[sflag:s0] =	ssyncadd.remote.s32 $0x1  }
0xc0: {  	_ =	sfence.sel $0xFFFF  }
0xc1: {  	[dreg:$0x0] =	wrdreg $0xFFFFFFFF;
	(pc) =	sbr.abs _section_cstart, $3  }
0xc2: {  	[dreg:$0x1] =	wrdreg $0xFFFFFFFF  }
0xc3: {  	_ =	task.clear_ibuf [dreg:s7], $0x2FFFF;
	_ =	strace $0x9FFFFFFF  }
0xc4: {  	(tm) =	ssettm $0x7FFFFFFF  }
0xc5: {  	_ =	shalt  }
tec
execute0_lowered:
.L_overlay_start_1:
0x0: {  	(tag) =	ssettag $0x1  }
0x1: {  	s0 =	rddreg [dreg:$0x0]  }
0x2: {  	s2 =	rddreg [dreg:$0x2]  }
0x3: {  	s1 =	rddreg [dreg:$0x3]  }
0x4: {  	s3 =	simm.s32 $0x0;
	s4 =	srdreg.scid;
	s9 =	stileid.u32  }
0x5: {  	s29 =	simm.s32 $0x3;
	s31 =	simm.s32 $0x400;
	[smem:$0x7FF] =	sst s3  }
0x6: {  	s5 =	sadd.s32 $0x361000, s0;
	s4 =	sand.u32 $0x1, s4;
	s7 =	sadd.s32 $0x1000, s0  }
0x7: {  	s8 =	sadd.s32 $0x511200, s0;
	s6 =	sshll.u32 s9, $0x10;
	s15 =	smul.u32 $0x18, s9  }
0x8: {  	s21 =	sshll.u32 s9, $0x4;
	s30 =	sshll.u32 s9, $0x7;
	s28 =	smul.u32 $0xD8000, s9  }
0x9: {  	_ =	strace $0x8000004A;
	[dreg:$0x5] =	wrdreg s4;
	s10 =	sadd.s32 s6, s2  }
0xa: {  	s4 =	ssub.s32 $0x2, s4;
	[dreg:$0x6] =	wrdreg s6;
	s6 =	sadd.s32 $0x2000, s10  }
0xb: {  	s19 =	sadd.s32 s30, s1;
	s22 =	sadd.s32 $0x4000, s10;
	[dreg:$0x7] =	wrdreg s6  }
0xc: {  	s20 =	sshrl.u32 s4, $0x1;
	s23 =	sadd.s32 $0x6000, s10;
	[dreg:$0x8] =	wrdreg s22  }
0xd: {  	s24 =	sadd.s32 $0x8000, s10;
	s25 =	sadd.s32 $0xA000, s10;
	[dreg:$0x9] =	wrdreg s23  }
0xe: {  	s26 =	sadd.s32 $0xC000, s10;
	s18 =	sadd.s32 $0xE000, s10;
	[dreg:$0xa] =	wrdreg s24  }
.Ltmp0:
0xf: {  	s0 =	ssub.s32 s4, s20;
	[dreg:$0xb] =	wrdreg s25;
	(pc) =	sbr.rel .LBB2_1-.Ltmp0, $4  }
0x10: {  	s4 =	sor.u32 $0x100000, s21;
	[dreg:$0xc] =	wrdreg s26;
	s20 =	sor.u32 $0x800, s15  }
0x11: {  	s21 =	sadd.s32 $0x40, s19;
	s22 =	sadd.s32 $0x980, s15;
	s25 =	simm.s32 $0xB00  }
0x12: {  	v0 =	vlaneseq.u32;
	s26 =	simm.s32 $0x1;
	s23 =	simm.s32 $0x0;
	s0 =	smax.u32 s0, $0x1  }
0x13: {  	v2 =	vimm.f32 $0.0e+00;
	v1 =	vor.u32 s4, v0;
	s4 =	simm.s32 $0x0;
	[dreg:$0xd] =	wrdreg s0;
	s0 =	simm.s32 $0x2  }
.LBB2_12:
0x14: {  	s4 =	rddreg [dreg:$0xe]  }
0x15: {  	s1 =	rddreg [dreg:$0xd];
	s4 =	sadd.s32 $0x1, s4  }
0x16: {  	p0 =	sne.s32 s4, s1  }
.Ltmp1:
0x17: {  	_ = 	snop;
	(pc) =	sbr.rel @!p0 .LBB2_13-.Ltmp1, $1  }
0x18: {  	_ =	sdelay $0x3  }
.LBB2_1:
0x19: {  	[dreg:$0xe] =	wrdreg s4;
	s1 =	simm.s32 $0x40;
	s4 =	simm.s32 $0x0  }
.LBB2_2:
0x1a: {  	p0 =	sne.s32 s1, $0x7FC0;
	[tilespmem:s4+$0xB00] =	vst v2;
	s4 =	smov.u32 s1;
	s1 =	sadd.s32 $0x40, s1  }
.Ltmp2:
0x1b: {  	(pc) =	sbr.rel @p0 .LBB2_2-.Ltmp2, $2  }
0x1c: {  	_ =	sdelay $0x2  }
0x1d: {  	s4 =	sshra.s32 s4, $0x2  }
.Ltmp3:
0x1e: {  	(pc) =	sbr.rel .LBB2_4-.Ltmp3, $2  }
0x1f: {  	_ =	sdelay $0x2  }
0x20: {  	[tilespmem:s4+$0xB00] =	vst v2;
	s1 =	simm.s32 $0x0  }
.LBB2_11:
0x21: {  	s4 =	sshll.u32 s4, $0x14  }
0x22: {  	s6 =	rddreg [dreg:$0x6];
	[bflag:$0x0] =	sbarrier.arrive $0xFFFF;
	s24 =	stileid.u32  }
0x23: {  	s30 =	sshrl.u32 s10, $0x3;
	s1 =	sadd.s32 $0x1, s1;
	s4 =	sor.u32 s6, s4  }
0x24: {  	s6 =	sshll.u32 s24, $0x6;
	s9 =	rddreg [dreg:$0x1];
	s4 =	sshrl.u32 s4, $0x3  }
0x25: {  	p0 =	sne.s32 s1, $0x1B;
	s6 =	sor.u32 $0x1C03, s6;
	s4 =	sadd.s32 s9, s4  }
0x26: {  	[hbm:s4], [sflag:s6] =	dma.local [spmem:s30], $0x2000  }
.Ltmp4:
0x27: {  	_ =	swait.ge [sflag:s29], $0x2000;
	(pc) =	sbr.rel @!p0 .LBB2_12-.Ltmp4, $3  }
0x28: {  	[sflag:s29] =	ssyncset.done $0x0  }
0x29: {  	[sflag:s29] =	ssyncadd.s32 $0xFFFFE000  }
0x2a: {  	[bflag:$0x0] =	sbarrier.arrive $0xFFFF;
	_ =	sdelay $0x1  }
.LBB2_4:
0x2b: {  	[spmem:s10] =	stream.linear.scatter [tilespmem:s25], [sflag:$0x1], $0x2000, $0x38;
	[tilespmem:$0x12B90] =	vst v63  }
0x2c: {  	s4 =	rddreg [dreg:$0x7]  }
0x2d: {  	[spmem:s4] =	stream.linear.scatter [tilespmem:s25], [sflag:$0x1], $0x2000, $0x38;
	[tilespmem:$0x12B90] =	vst v63  }
0x2e: {  	s9 =	rddreg [dreg:$0x8]  }
0x2f: {  	[spmem:s9] =	stream.linear.scatter [tilespmem:s25], [sflag:$0x1], $0x2000, $0x38;
	[tilespmem:$0x12B90] =	vst v63  }
0x30: {  	s11 =	rddreg [dreg:$0x9]  }
0x31: {  	[spmem:s11] =	stream.linear.scatter [tilespmem:s25], [sflag:$0x1], $0x2000, $0x38;
	[tilespmem:$0x12B90] =	vst v63  }
0x32: {  	s12 =	rddreg [dreg:$0xa]  }
0x33: {  	[spmem:s12] =	stream.linear.scatter [tilespmem:s25], [sflag:$0x1], $0x2000, $0x38;
	[tilespmem:$0x12B90] =	vst v63  }
0x34: {  	s13 =	rddreg [dreg:$0xb]  }
0x35: {  	[spmem:s13] =	stream.linear.scatter [tilespmem:s25], [sflag:$0x1], $0x2000, $0x38;
	[tilespmem:$0x12B90] =	vst v63  }
0x36: {  	s14 =	rddreg [dreg:$0xc]  }
0x37: {  	[spmem:s14] =	stream.linear.scatter [tilespmem:s25], [sflag:$0x1], $0x2000, $0x38;
	[tilespmem:$0x12B90] =	vst v63  }
0x38: {  	_ = 	snop  }
0x39: {  	[spmem:s18] =	stream.linear.scatter [tilespmem:s25], [sflag:$0x1], $0x2000, $0x38;
	[tilespmem:$0x12B90] =	vst v63  }
0x3a: {  	_ =	swait.ge [sflag:s26], $0x2000  }
0x3b: {  	[sflag:s26] =	ssyncset.done $0x0  }
0x3c: {  	[sflag:s26] =	ssyncadd.s32 $0xFFFFE000  }
0x3d: {  	_ =	swait.ge [sflag:s26], $0x2000  }
0x3e: {  	[sflag:s26] =	ssyncset.done $0x0  }
0x3f: {  	[sflag:s26] =	ssyncadd.s32 $0xFFFFE000  }
0x40: {  	_ =	swait.ge [sflag:s26], $0x2000  }
0x41: {  	[sflag:s26] =	ssyncset.done $0x0  }
0x42: {  	[sflag:s26] =	ssyncadd.s32 $0xFFFFE000  }
0x43: {  	_ =	swait.ge [sflag:s26], $0x2000  }
0x44: {  	[sflag:s26] =	ssyncset.done $0x0  }
0x45: {  	[sflag:s26] =	ssyncadd.s32 $0xFFFFE000  }
0x46: {  	_ =	swait.ge [sflag:s26], $0x2000  }
0x47: {  	[sflag:s26] =	ssyncset.done $0x0  }
0x48: {  	[sflag:s26] =	ssyncadd.s32 $0xFFFFE000  }
0x49: {  	_ =	swait.ge [sflag:s26], $0x2000  }
0x4a: {  	[sflag:s26] =	ssyncset.done $0x0  }
0x4b: {  	[sflag:s26] =	ssyncadd.s32 $0xFFFFE000  }
0x4c: {  	_ =	swait.ge [sflag:s26], $0x2000  }
0x4d: {  	s16 =	sshll.u32 s1, $0x1;
	[sflag:s26] =	ssyncset.done $0x0;
	s6 =	rddreg [dreg:$0x5]  }
0x4e: {  	s4 =	sor.u32 s6, s16;
	[sflag:s26] =	ssyncadd.s32 $0xFFFFE000  }
0x4f: {  	_ =	swait.ge [sflag:s26], $0x2000;
	s6 =	smul.u32 $0x30, s4  }
0x50: {  	s11 =	simm.s32 $0x800;
	[sflag:s26] =	ssyncset.done $0x0  }
0x51: {  	s9 =	smul.u32 $0x180, s4;
	[sflag:s26] =	ssyncadd.s32 $0xFFFFE000;
	s6 =	sadd.s32 s8, s6  }
0x52: {  	[tilespmem:s11], [sflag:$0x3] =	stream.linear.gather [hbm4b:s6+s23], $0x180, $0x38;
	[tilespmem:$0x12B90] =	vst v63  }
0x53: {  	s17 =	sshrl.u32 s9, $0x3;
	_ =	swait.ge [sflag:s29], $0x180  }
0x54: {  	s6 =	sadd.s32 s8, s17;
	[sflag:s29] =	ssyncset.done $0x0  }
0x55: {  	s24 =	simm.s32 $0x980;
	s6 =	sadd.s32 $0x30, s6;
	[sflag:s29] =	ssyncadd.s32 $0xFFFFFE80  }
0x56: {  	[tilespmem:s24], [sflag:$0x3] =	stream.linear.gather [hbm4b:s6+s23], $0x180, $0x38;
	[tilespmem:$0x12B90] =	vst v63  }
0x57: {  	_ =	swait.ge [sflag:s29], $0x180  }
0x58: {  	[sflag:s29] =	ssyncset.done $0x0  }
0x59: {  	[sflag:s29] =	ssyncadd.s32 $0xFFFFFE80  }
0x5a: {  	[spmem:s19] =	stream.linear.scatter [tilespmem:s20], [sflag:$0x3], $0x40, $0x38;
	[tilespmem:$0x12B90] =	vst v63  }
0x5b: {  	_ =	swait.ge [sflag:s29], $0x40  }
0x5c: {  	[sflag:s29] =	ssyncset.done $0x0  }
0x5d: {  	[sflag:s29] =	ssyncadd.s32 $0xFFFFFFC0  }
0x5e: {  	[spmem:s21] =	stream.linear.scatter [tilespmem:s22], [sflag:$0x3], $0x40, $0x38;
	[tilespmem:$0x12B90] =	vst v63  }
0x5f: {  	_ =	swait.ge [sflag:s29], $0x40  }
0x60: {  	[sflag:s29] =	ssyncset.done $0x0  }
0x61: {  	[sflag:s29] =	ssyncadd.s32 $0xFFFFFFC0  }
0x62: {  	[smem:s23], [sflag:$0x3] =	stream.linear.gather [spmem:s19], $0x80, $0x38;
	[tilespmem:$0x12B90] =	vst v63  }
.Ltmp5:
0x63: {  	_ =	swait.ge [sflag:s29], $0x80;
	(pc) =	sbr.rel .LBB2_5-.Ltmp5, $4  }
0x64: {  	[sflag:s29] =	ssyncset.done $0x0  }
0x65: {  	[sflag:s29] =	ssyncadd.s32 $0xFFFFFF80  }
0x66: {  	[bflag:$0x0] =	sbarrier.arrive $0xFFFF  }
0x67: {  	s30 =	simm.s32 $0x0;
	s24 =	smov.u32 s28  }
.LBB2_10:
0x68: {  	s30 =	sadd.s32 $0x1, s30  }
0x69: {  	p0 =	sne.s32 s30, $0x18  }
.Ltmp6:
0x6a: {  	_ = 	snop;
	(pc) =	sbr.rel @!p0 .LBB2_11-.Ltmp6, $2  }
0x6b: {  	_ =	sdelay $0x2  }
0x6c: {  	s24 =	sadd.s32 $0x9000, s24  }
.LBB2_5:
0x6d: {  	s6 =	sadd.s32 s15, s30;
	s11 =	sld [smem:s30+$0x0]  }
0x6e: {  	s9 =	sld [smem:s30+$0x40];
	s6 =	smul.u32 $0x9000, s6  }
0x6f: {  	_ = 	snop  }
0x70: {  	s12 =	sadd.s32 s6, s11  }
0x71: {  	s13 =	sadd.s32 s6, s9;
	s6 =	sand.u32 $0xFFFFFFF8, s12  }
0x72: {  	s9 =	ssub.s32 s13, s6  }
0x73: {  	s9 =	sadd.s32 $0x3FF, s9  }
0x74: {  	p0 =	sle.s32 s13, s12;
	s9 =	sshrl.u32 s9, $0xA  }
0x75: {  	p1 =	seq.s32 @!p0 s9, $0x0  }
0x76: {  	p0 =	por p0, p1  }
.Ltmp7:
0x77: {  	_ = 	snop;
	(pc) =	sbr.rel @p0 .LBB2_10-.Ltmp7, $1  }
0x78: {  	_ =	sdelay $0x3  }
0x79: {  	s11 =	sadd.s32 s24, s11  }
0x7a: {  	v3 =	vmov s12;
	v4 =	vmov s13;
	s12 =	simm.s32 $0x0;
	s13 =	simm.s32 $0x0;
	s16 =	sand.u32 $0xFFFFFFF8, s11  }
.LBB2_7:
0x7b: {  	s11 =	sshll.u32 s13, $0xA  }
0x7c: {  	s11 =	sadd.s32 s6, s11  }
0x7d: {  	s11 =	sshrl.u32 s11, $0x3  }
0x7e: {  	s14 =	sadd.s32 s5, s11  }
0x7f: {  	[tilespmem:s12], [sflag:$0x1] =	stream.linear.gather [hbm4b:s14+s12], $0x400, $0x38;
	[tilespmem:$0x12B90] =	vst v63  }
0x80: {  	s11 =	sadd.s32 s7, s11  }
0x81: {  	[tilespmem:s31], [sflag:$0x2] =	stream.linear.gather [hbm4b:s11+s12], $0x400, $0x38;
	[tilespmem:$0x12B90] =	vst v63  }
0x82: {  	_ =	swait.ge [sflag:s26], $0x400  }
0x83: {  	[sflag:s26] =	ssyncset.done $0x0  }
0x84: {  	[sflag:s26] =	ssyncadd.s32 $0xFFFFFC00  }
0x85: {  	_ =	swait.ge [sflag:s0], $0x400  }
0x86: {  	[sflag:s0] =	ssyncset.done $0x0  }
0x87: {  	s11 =	simm.s32 $0x0;
	[sflag:s0] =	ssyncadd.s32 $0xFFFFFC00  }
0x88: {  	v5 =	vld [tilespmem:s11+$0x0];
	_ =	sdelay $0x1  }
0x89: {  	v6 =	vadd.s32 s16, v0  }
0x8a: {  	vm0 =	vge.s32 v6, v3;
	vm1 =	vlt.s32 v6, v4  }
0x8b: {  	vm0 =	vmand vm0, vm1  }
0x8c: {  	v5 =	vsel vm0, v5, v1  }
0x8d: {  	s17 =	simm.s32 $0x80;
	s14 =	simm.s32 $0x10;
	[tilespmem:s11+$0x0] =	vst v5;
	s11 =	smov.u32 s16  }
.LBB2_8:
0x8e: {  	p0 =	sne.s32 s17, $0xFC0;
	v5 =	vld [tilespmem:s14+$0x0]  }
0x8f: {  	s11 =	sadd.s32 $0x10, s11  }
.Ltmp8:
0x90: {  	v6 =	vadd.s32 s11, v0;
	(pc) =	sbr.rel @p0 .LBB2_8-.Ltmp8, $4  }
0x91: {  	vm0 =	vge.s32 v6, v3;
	vm1 =	vlt.s32 v6, v4  }
0x92: {  	vm0 =	vmand vm0, vm1  }
0x93: {  	v5 =	vsel vm0, v5, v1  }
0x94: {  	[tilespmem:s14+$0x0] =	vst v5;
	s14 =	sshra.s32 s17, $0x2;
	s17 =	sadd.s32 $0x40, s17  }
0x95: {  	v5 =	vld [tilespmem:s14+$0x0]  }
0x96: {  	s11 =	sadd.s32 $0x10, s11  }
0x97: {  	v6 =	vadd.s32 s11, v0  }
0x98: {  	vm0 =	vge.s32 v6, v3;
	vm1 =	vlt.s32 v6, v4  }
0x99: {  	vm0 =	vmand vm0, vm1  }
0x9a: {  	s13 =	sadd.s32 $0x1, s13;
	v5 =	vsel vm0, v5, v1  }
0x9b: {  	p0 =	sgt.u32 s9, s13;
	[tilespmem:s14+$0x0] =	vst v5  }
0x9c: {  	[spmem:s2] =	stream.indirect.scatter.add.f32 [tilespmem:s31], [sflag:$0x3], $0x1, s3, s31, $0xb8;
	[tilespmem:$0x12B90] =	vst v63  }
.Ltmp9:
0x9d: {  	_ = 	snop;
	(pc) =	sbr.rel @p0 .LBB2_7-.Ltmp9, $4  }
.Ltmp10:
0x9e: {  	_ = 	snop;
	(pc) =	sbr.rel @!p0 .LBB2_10-.Ltmp10, $4  }
0x9f: {  	_ =	swait.ge [sflag:s29], $0x400  }
0xa0: {  	[sflag:s29] =	ssyncset.done $0x0  }
0xa1: {  	s16 =	sadd.s32 $0x400, s16;
	[sflag:s29] =	ssyncadd.s32 $0xFFFFFC00  }
0xa2: {  	_ = 	snop  }
.LBB2_13:
0xa3: {  	_ =	sfence.sel $0x180000  }
0xa4: {  	[bflag:$0x0] =	sbarrier.arrive $0xFFFF  }
0xa5: {  	_ =	strace $0x9000004A  }
0xa6: {  	s0 =	stileid.u32;
	[bflag:$0x2] =	sbarrier.arrive $0xFFFF  }
0xa7: {  	p0 =	sne.s32 s0, $0x0;
	s0 =	rddreg [dreg:$0x4]  }
0xa8: {  	s0 =	sadd.s32 @!p0 $0x100000, s0  }
0xa9: {  	[sflag:s0] =	ssyncadd.tile.s32 @!p0 $0x1;
	_ =	shalt  }
.Lfunc_end2:
_tile_overlayer_lowered:
.L_overlay_start_2:
0xaa: {  	(tag) =	ssettag $0x2  }
0xab: {  	s0 =	rddreg [dreg:$0x0];
	s2 =	stileid.u32  }
0xac: {  	s1 =	rddreg [dreg:$0x1];
	p0 =	sne.s32 s2, $0x0  }
0xad: {  	s3 =	rddreg [dreg:$0x2];
	[bflag:$0x3] =	sbarrier.arrive $0xFFFF;
	s2 =	simm.s32 @!p0 $0x1C03  }
0xae: {  	[timem:s3], [sflag:s2] =	dma.local @!p0 [hbm:s0], s1  }
0xaf: {  	s0 =	simm.s32 @!p0 $0x3  }
0xb0: {  	_ =	swait.ge @!p0 [sflag:s0], s1  }
0xb1: {  	s1 =	ssub.s32 @!p0 $0x0, s1;
	[sflag:s0] =	ssyncset.done @!p0 $0x0  }
0xb2: {  	[sflag:s0] =	ssyncadd.s32 @!p0 s1  }
0xb3: {  	[bflag:$0x3] =	sbarrier.arrive $0xFFFF  }
0xb4: {  	_ =	shalt  }

// kernel: sparse-core-data-format-call.cloned.1.call-start
scs
called_computation_lowered:
.L_overlay_start_0:
0x0: {  	s2 =	sld [smem:$0x3FD9]  }
0x1: {  	s3 =	sld [smem:$0x3FFE];
	_ =	sdelay $0x1  }
0x2: {  	s1 =	srdreg.scid  }
0x3: {  	s0 =	sand.u32 $0x1, s1  }
0x4: {  	s18 =	sshll.u32 s0, $0xA;
	s2 =	sadd.s32 s3, s2  }
0x5: {  	s2 =	sadd.s32 s2, s18  }
0x6: {  	[smem:$0x3FC6] =	sst s2  }
0x7: {  	_ = 	snop  }
0x8: {  	s2 =	sld [smem:$0x3FD0];
	(tm) =	ssettm $0x1  }
0x9: {  	s19 =	sld [smem:$0x3FFB];
	_ =	sdelay $0x3  }
0xa: {  	_ =	strace s19  }
0xb: {  	s3 =	sld [smem:$0x3FFC];
	_ =	sdelay $0x3  }
0xc: {  	_ =	strace s3  }
0xd: {  	s3 =	sld [smem:$0x3FFD];
	_ =	sdelay $0x3  }
0xe: {  	_ =	strace s3  }
0xf: {  	_ =	strace $0x8FFFFFFF  }
0x10: {  	s20 =	sld [smem:$0x3FDB];
	_ =	sdelay $0x1  }
0x11: {  	s4 =	simm.s32 $_scs_section_size  }
0x12: {  	s5 =	simm.s32 $_size__tile_overlayer_lowered;
	s6 =	simm.s32 $_tile_overlayer_lowered  }
0x13: {  	s23 =	simm.s32 $0x1BFF;
	s22 =	sshll.u32 s6, $0x1;
	s3 =	sadd.s32 s4, s20  }
0x14: {  	s7 =	simm.s32 $0x0;
	s21 =	sshll.u32 s5, $0x1;
	s5 =	sadd.s32 s22, s3  }
0x15: {  	[timem:s7], [sflag:s23] =	dma.local [hbm:s5], s21  }
0x16: {  	_ =	swait.ge [sflag:s23], s21  }
0x17: {  	s4 =	ssub.s32 $0x0, s21;
	[sflag:s23] =	ssyncset.done $0x0  }
0x18: {  	[sflag:s23] =	ssyncadd.s32 s4;
	_ =	sdelay $0x1  }
0x19: {  	s24 =	simm.s32 $0x1B8B  }
0x1a: {  	_ =	swait.ge [sflag:s24], $0x1  }
0x1b: {  	[sflag:s24] =	ssyncset.done $0x0  }
0x1c: {  	s26 =	simm.s32 $0x1B8E;
	s25 =	sld [smem:$0x3FFE];
	[sflag:s24] =	ssyncadd.s32 $0xFFFFFFFF  }
0x1d: {  	s27 =	simm.s32 $execute0_lowered;
	[smem:$0x3FD2] =	sst s26  }
0x1e: {  	s5 =	sshll.u32 s27, $0x1;
	_ =	strace $0x8000004C;
	[dreg:$0x1] =	wrdreg $0xFFFFFFFF  }
0x1f: {  	s28 =	simm.s32 $_size_execute0_lowered;
	s3 =	sadd.s32 s3, s5;
	[dreg:$0x0] =	wrdreg $0x0  }
0x20: {  	s5 =	sshll.u32 s28, $0x1;
	[dreg:$0x2] =	wrdreg s3  }
0x21: {  	[dreg:$0x3] =	wrdreg s5  }
0x22: {  	[dreg:$0x4] =	wrdreg $0xC0  }
0x23: {  	_ =	task [dreg:s7], $0x5FFFF  }
0x24: {  	[dreg:$0x1] =	wrdreg $0xFFFFFFFF  }
0x25: {  	[dreg:$0x0] =	wrdreg $0x60  }
0x26: {  	[dreg:$0x2] =	wrdreg s25  }
0x27: {  	[dreg:$0x3] =	wrdreg s2  }
0x28: {  	[dreg:$0x4] =	wrdreg $0x9  }
0x29: {  	_ =	task.clear_ibuf [dreg:s7], $0x5FFFF;
	_ =	strace $0x9000004C  }
0x2a: {  	s29 =	simm.s32 $0x9;
	_ =	strace $0x8000004E  }
0x2b: {  	_ =	swait.ge [sflag:s29], $0x1  }
0x2c: {  	[sflag:s29] =	ssyncadd.s32 $0xFFFFFFFF  }
0x2d: {  	_ =	strace $0x9000004E  }
0x2e: {  	_ =	sfence  }
0x2f: {  	s30 =	sld [smem:$0x0];
	_ =	sdelay $0x2  }
0x30: {  	s31 =	sshll.u32 s1, $0xD;
	s1 =	sshrl.u32 s1, $0x2  }
0x31: {  	s3 =	sand.u32 $0x4000, s31;
	s1 =	sadd.s32 s1, s30  }
0x32: {  	s0 =	sor.u32 s3, s0;
	s1 =	sshll.u32 s1, $0x11  }
0x33: {  	s0 =	sor.u32 s1, s0  }
0x34: {  	s0 =	sadd.s32 $0x8F2B, s0  }
0x35: {  	[sflag:s0] =	ssyncadd.remote.s32 $0x1  }
0x36: {  	_ =	sfence.sel $0xFFFF  }
0x37: {  	[dreg:$0x0] =	wrdreg $0xFFFFFFFF;
	(pc) =	sbr.abs _section_cstart, $3  }
0x38: {  	[dreg:$0x1] =	wrdreg $0xFFFFFFFF  }
0x39: {  	_ =	task.clear_ibuf [dreg:s7], $0x2FFFF;
	_ =	strace $0x9FFFFFFF  }
0x3a: {  	(tm) =	ssettm $0x7FFFFFFF  }
0x3b: {  	_ =	shalt  }
tec
execute0_lowered:
.L_overlay_start_1:
0x0: {  	(tag) =	ssettag $0x1  }
0x1: {  	s3 =	rddreg [dreg:$0x0]  }
0x2: {  	s2 =	rddreg [dreg:$0x1]  }
0x3: {  	s1 =	srdreg.scid;
	s0 =	rddreg [dreg:$0x2];
	_ =	strace $0x8000004D  }
0x4: {  	s7 =	simm.s32 $0x2;
	s15 =	simm.s32 $0x0;
	p0 =	por $0x0, $0x0  }
0x5: {  	s16 =	simm.s32 $0x0;
	s17 =	simm.s32 $0x0;
	s8 =	simm.s32 $0x0  }
0x6: {  	s10 =	simm.s32 $0x0;
	s11 =	simm.s32 $0x0;
	s12 =	simm.s32 $0x0  }
.Ltmp0:
0x7: {  	s9 =	simm.s32 $0x0;
	s4 =	sshll.u32 s1, $0x4;
	(pc) =	sbr.rel .LBB1_1-.Ltmp0, $4  }
0x8: {  	s1 =	stileid.u32;
	s3 =	sadd.s32 $0x1000, s3;
	s4 =	sand.u32 $0x10, s4  }
0x9: {  	s5 =	sand.u32 $0x3, s1;
	s6 =	sor.u32 s1, s4;
	s4 =	simm.s32 $0x1  }
0xa: {  	s14 =	smov.u32 s5;
	[sflag:s4] =	ssyncpa.u1 $0x0;
	s6 =	sshrl.u32 s6, $0x2  }
0xb: {  	[sflag:s7] =	ssyncpa.u1 $0x0;
	s7 =	simm.s32 $0xC00;
	s13 =	smov.u32 s6  }
.LBB1_5:
0xc: {  	p1 =	slt.u32 s9, $0x2;
	s18 =	smov.u32 s17  }
0xd: {  	p2 =	sgt.s32 @!p1 s17, $0x3;
	s19 =	sshra.s32 @!p1 s17, $0x1F;
	s20 =	sshra.s32 @!p1 s16, $0x1F  }
0xe: {  	p2 =	por !p2, p1;
	s17 =	sand.u32 @!p1 s19, s17;
	s19 =	smov.u32 s16  }
0xf: {  	s18 =	simm.s32 @p2 $0x3;
	p2 =	sgt.s32 @!p1 s16, $0x17F;
	s16 =	sand.u32 @!p1 s20, s16  }
0x10: {  	s20 =	sshra.s32 @!p1 s15, $0x1F;
	s17 =	ssub.s32 @!p1 s18, s17;
	p3 =	por !p2, p1  }
0x11: {  	s18 =	sadd.s32 @!p1 $0xFFFFFFFD, s17;
	s19 =	simm.s32 @p3 $0x17F;
	s17 =	ssub.s32 @!p1 $0x4, s17  }
0x12: {  	p3 =	sgt.s32 @!p1 s15, $0x100;
	p2 =	sgt.s32 @!p1 s18, $0x0;
	s16 =	ssub.s32 @!p1 s19, s16  }
0x13: {  	p3 =	por !p3, p1;
	s19 =	smov.u32 s15;
	s15 =	sand.u32 @!p1 s20, s15  }
0x14: {  	s17 =	smul.u32 @!p1 $0x60, s17;
	s18 =	sadd.s32 @!p1 $0xFFFFFE81, s16;
	s19 =	simm.s32 @p3 $0x100  }
0x15: {  	s16 =	ssub.s32 @!p1 $0x180, s16;
	p3 =	sgt.s32 @!p1 s18, $0x0;
	s15 =	ssub.s32 @!p1 s19, s15  }
0x16: {  	p2 =	por !p2, p1;
	p3 =	por !p3, p1;
	s18 =	sadd.s32 @!p1 $0xFFFFFF00, s15  }
0x17: {  	s17 =	simm.s32 @!p2 $0x0;
	s16 =	simm.s32 @!p3 $0x0;
	p3 =	sgt.s32 @!p1 s18, $0x7F  }
0x18: {  	s15 =	ssub.s32 @!p1 $0x180, s15;
	p2 =	por !p3, p1;
	s16 =	smul.u32 @!p1 s16, s17  }
0x19: {  	s19 =	smov.u32 s13;
	s18 =	sadd.s32 $0x80, s12;
	s15 =	simm.s32 @!p2 $0x0  }
0x1a: {  	p2 =	sgt.s32 s18, $0x17F;
	s15 =	smul.u32 @!p1 s15, s16;
	s16 =	sadd.s32 $0x8, s13  }
0x1b: {  	s19 =	smov.u32 @p2 s16  }
0x1c: {  	s21 =	smov.u32 s14;
	s16 =	sadd.s32 $0x4, s14;
	p3 =	sgt.s32 s19, $0x17F  }
0x1d: {  	s9 =	sadd.s32 $0x1, s9;
	p0 =	por !p0, !p0;
	s21 =	smov.u32 @p3 s16  }
0x1e: {  	s20 =	simm.s32 @!p1 $0x2;
	s18 =	simm.s32 @p2 $0x0;
	p2 =	sgt.s32 s21, $0x3  }
0x1f: {  	s17 =	smov.u32 s11;
	s21 =	smov.u32 @p2 s5;
	p2 =	sne.s32 s9, $0x92  }
.Ltmp1:
0x20: {  	s11 =	smov.u32 s14;
	s15 =	sand.u32 @!p1 $0x3FFFFFE0, s15;
	(pc) =	sbr.rel @!p2 .LBB1_6-.Ltmp1, $4  }
0x21: {  	_ =	swait.ge @!p1 [sflag:s20], s15;
	s22 =	ssub.s32 @!p1 $0x0, s15;
	s15 =	smov.u32 s8  }
0x22: {  	s16 =	smov.u32 s10;
	s19 =	smov.u32 @p3 s6;
	s8 =	smov.u32 s12  }
0x23: {  	s10 =	smov.u32 s13;
	s12 =	smov.u32 s18;
	[sflag:s20] =	ssyncset.done @!p1 $0x0  }
0x24: {  	s13 =	smov.u32 s19;
	[sflag:s20] =	ssyncadd.s32 @!p1 s22;
	s14 =	smov.u32 s21  }
.LBB1_1:
0x25: {  	p1 =	sgt.u32 s9, $0x8F  }
0x26: {  	s18 =	sand.u32 @!p1 $0x1FFFFFF, s12  }
0x27: {  	s19 =	smulhi.u32 @!p1 $0xAAAAAB, s18  }
0x28: {  	s20 =	smul.u32 @!p1 $0x240000, s14  }
0x29: {  	s19 =	smul.u32 @!p1 $0x180, s19  }
0x2a: {  	s21 =	smul.u32 @!p1 $0x1800, s13  }
0x2b: {  	s20 =	sadd.s32 @!p1 s3, s20;
	s18 =	ssub.s32 @!p1 s18, s19;
	s19 =	sxor.u32 @!p1 $0xFFFFFFFF, s9  }
0x2c: {  	s20 =	sadd.s32 @!p1 s21, s20;
	s19 =	sshll.u32 @!p1 s19, $0xE;
	s18 =	sshll.u32 @!p1 s18, $0x4  }
0x2d: {  	s19 =	sand.u32 @!p1 $0x4000, s19;
	s18 =	sadd.s32 @!p1 s18, s20;
	s20 =	simm.s32 @!p1 $0x0  }
0x2e: {  	[tilespmem:s19], [sflag:$0x1] =	stream.linear.gather @!p1 [hbm4b:s18+s20], $0x4000, $0x38;
	[tilespmem:$0x10100] =	vst v63  }
0x2f: {  	p1 =	seq.s32 s9, $0x0  }
0x30: {  	p2 =	seq.s32 @!p1 s9, $0x91  }
0x31: {  	p1 =	por p1, p2  }
.Ltmp2:
0x32: {  	_ = 	snop;
	(pc) =	sbr.rel @p1 .LBB1_5-.Ltmp2, $1  }
0x33: {  	_ =	sdelay $0x3  }
0x34: {  	s18 =	simm.s32 $0x1  }
0x35: {  	_ =	swait.ge [sflag:s4], $0x4000;
	s18 =	simm.s32 @!p0 $0x0  }
0x36: {  	[sflag:s4] =	ssyncset.done $0x0;
	s19 =	sshll.u32 s18, $0xE  }
0x37: {  	[sflag:s4] =	ssyncadd.s32 $0xFFFFC000;
	s19 =	sor.u32 $0x40, s19  }
0x38: {  	s18 =	smul.u32 $0x10200, s18;
	v0 =	vld [tilespmem:s19+$0x30]  }
0x39: {  	v1 =	vld [tilespmem:s19+$0xFFFFFFD0]  }
0x3a: {  	s18 =	sshrl.u32 s18, $0x2;
	v5 =	vld [tilespmem:s19+$0xFFFFFFE0]  }
0x3b: {  	v6 =	vld [tilespmem:s19+$0xFFFFFFF0];
	s21 =	sor.u32 $0x8000, s18  }
0x3c: {  	s31 =	sand.u32 $0x1, s9;
	v4 =	vld [tilespmem:s19+$0x0];
	s20 =	sadd.s32 $0x0, s21  }
0x3d: {  	v3 =	vld [tilespmem:s19+$0x10];
	s18 =	smul.u32 $0x10200, s31;
	[tilespmem:s20+$0x3870 ss:$0x81] =	vst.msk $0xffff, v0  }
0x3e: {  	v2 =	vld [tilespmem:s19+$0x20];
	[tilespmem:s20+$0x810 ss:$0x81] =	vst.msk $0xffff, v1  }
0x3f: {  	s18 =	sshrl.u32 s18, $0x2;
	v1 =	vld [tilespmem:s19+$0xFFFFFFC0];
	[tilespmem:s20+$0x1020 ss:$0x81] =	vst.msk $0xffff, v5;
	s19 =	sadd.s32 $0x80, s19  }
0x40: {  	s22 =	simm.s32 $0x4;
	s23 =	simm.s32 $0x8;
	s18 =	sor.u32 $0x8000, s18;
	[tilespmem:s20+$0x1830 ss:$0x81] =	vst.msk $0xffff, v6;
	v0 =	vld [tilespmem:s19+$0x30]  }
.LBB1_3:
0x41: {  	p1 =	sne.s32 s23, $0x1FC;
	v5 =	vld [tilespmem:s19+$0xFFFFFFD0];
	[tilespmem:s20+$0x2040 ss:$0x81] =	vst.msk $0xffff, v4  }
0x42: {  	v6 =	vld [tilespmem:s19+$0xFFFFFFE0];
	[tilespmem:s20+$0x2850 ss:$0x81] =	vst.msk $0xffff, v3  }
0x43: {  	s24 =	sshra.s32 s22, $0x2;
	s22 =	smov.u32 s23;
	v7 =	vld [tilespmem:s19+$0xFFFFFFF0];
	[tilespmem:s20+$0x3060 ss:$0x81] =	vst.msk $0xffff, v2  }
.Ltmp3:
0x44: {  	v4 =	vld [tilespmem:s19+$0x0];
	[tilespmem:s20+$0x0 ss:$0x81] =	vst.msk $0xffff, v1;
	s20 =	sadd.s32 s24, s21;
	(pc) =	sbr.rel @p1 .LBB1_3-.Ltmp3, $4  }
0x45: {  	v3 =	vld [tilespmem:s19+$0x10];
	[tilespmem:s20+$0x3870 ss:$0x81] =	vst.msk $0xffff, v0  }
0x46: {  	[tilespmem:s20+$0x810 ss:$0x81] =	vst.msk $0xffff, v5;
	v2 =	vld [tilespmem:s19+$0x20]  }
0x47: {  	v1 =	vld [tilespmem:s19+$0xFFFFFFC0];
	[tilespmem:s20+$0x1020 ss:$0x81] =	vst.msk $0xffff, v6;
	s19 =	sadd.s32 $0x80, s19  }
0x48: {  	s23 =	sadd.s32 $0x4, s23;
	v0 =	vld [tilespmem:s19+$0x30];
	[tilespmem:s20+$0x1830 ss:$0x81] =	vst.msk $0xffff, v7  }
0x49: {  	s23 =	sshll.u32 s8, $0x3  }
0x4a: {  	s24 =	sand.u32 $0x7F, s8;
	s22 =	sshra.s32 s22, $0x2;
	s23 =	sand.u32 $0xFFFFFC00, s23  }
0x4b: {  	p1 =	sgt.s32 s11, $0x3;
	s24 =	sor.u32 s24, s23;
	s23 =	smulhi.u32 $0xAAAAAAAB, s23  }
0x4c: {  	s26 =	sshra.s32 s11, $0x1F;
	s28 =	sshra.s32 s10, $0x1F;
	s25 =	smulhi.u32 $0xAAAAAAAB, s24  }
0x4d: {  	s21 =	sadd.s32 s22, s21;
	s26 =	sand.u32 s26, s11;
	s28 =	sand.u32 s28, s10  }
0x4e: {  	[tilespmem:s20+$0x2040 ss:$0x81] =	vst.msk $0xffff, v4;
	s23 =	sshrl.u32 s23, $0x8;
	s30 =	sshrl.u32 s25, $0x8;
	s25 =	smov.u32 s11  }
0x4f: {  	[tilespmem:s20+$0x2850 ss:$0x81] =	vst.msk $0xffff, v3;
	s27 =	smulhi.u32 $0x2AAAAAB, s23;
	s25 =	simm.s32 @!p1 $0x3;
	p1 =	sgt.s32 s10, $0x17F  }
0x50: {  	[tilespmem:s20+$0x3060 ss:$0x81] =	vst.msk $0xffff, v2;
	s22 =	smul.u32 $0x180, s30;
	s25 =	ssub.s32 s25, s26;
	s26 =	smov.u32 s10  }
0x51: {  	[tilespmem:s20+$0x0 ss:$0x81] =	vst.msk $0xffff, v1;
	s20 =	smov.u32 s8;
	s27 =	smul.u32 $0x60, s27;
	s26 =	simm.s32 @!p1 $0x17F  }
0x52: {  	v5 =	vld [tilespmem:s19+$0xFFFFFFD0];
	s31 =	sadd.s32 $0xFFFFFFFD, s25;
	s25 =	ssub.s32 $0x4, s25;
	s26 =	ssub.s32 s26, s28  }
0x53: {  	v58 =	vld [tilespmem:s19+$0xFFFFFFE0];
	s30 =	sshra.s32 s8, $0x1F;
	s25 =	smul.u32 $0x60, s25;
	s29 =	sadd.s32 $0xFFFFFE81, s26  }
0x54: {  	v59 =	vld [tilespmem:s19+$0xFFFFFFF0];
	p1 =	sgt.s32 s31, $0x0;
	s26 =	ssub.s32 $0x180, s26;
	p2 =	sgt.s32 s29, $0x0  }
0x55: {  	v60 =	vld [tilespmem:s19+$0x0];
	s25 =	simm.s32 @p1 $0x0;
	s26 =	simm.s32 @p2 $0x0;
	p2 =	sgt.s32 s8, $0x100  }
0x56: {  	v61 =	vld [tilespmem:s19+$0x10];
	[tilespmem:s21+$0x3870 ss:$0x81] =	vst.msk $0xffff, v0;
	s28 =	sand.u32 s30, s8;
	s20 =	simm.s32 @!p2 $0x100;
	s31 =	smul.u32 s26, s25  }
0x57: {  	v62 =	vld [tilespmem:s19+$0x20];
	[tilespmem:s21+$0x810 ss:$0x81] =	vst.msk $0xffff, v5;
	s25 =	ssub.s32 s23, s27;
	s27 =	smul.u32 $0x1B0000, s11;
	s20 =	ssub.s32 s20, s28  }
0x58: {  	v63 =	vld [tilespmem:s19+$0xFFFFFFC0];
	[tilespmem:s21+$0x1020 ss:$0x81] =	vst.msk $0xffff, v58;
	s22 =	ssub.s32 s24, s22;
	s28 =	smul.u32 $0x1200, s10;
	s26 =	sadd.s32 $0xFFFFFF00, s20  }
0x59: {  	[tilespmem:s21+$0x1830 ss:$0x81] =	vst.msk $0xffff, v59;
	s19 =	smul.u32 $0x30, s25;
	s20 =	ssub.s32 $0x180, s20;
	p1 =	sgt.s32 s26, $0x7F  }
.Ltmp4:
0x5a: {  	[tilespmem:s21+$0x2040 ss:$0x81] =	vst.msk $0xffff, v60;
	s25 =	sadd.s32 s2, s27;
	s20 =	simm.s32 @p1 $0x0;
	(pc) =	sbr.rel .LBB1_5-.Ltmp4, $4  }
0x5b: {  	[tilespmem:s21+$0x2850 ss:$0x81] =	vst.msk $0xffff, v61;
	s29 =	sand.u32 $0x7, s22;
	s23 =	sadd.s32 s28, s25;
	s20 =	smul.u32 s20, s31  }
0x5c: {  	[tilespmem:s21+$0x3060 ss:$0x81] =	vst.msk $0xffff, v62;
	s22 =	sshrl.u32 s22, $0x3;
	s30 =	sshll.u32 s29, $0x12;
	s19 =	sadd.s32 s19, s23  }
0x5d: {  	[tilespmem:s21+$0x0 ss:$0x81] =	vst.msk $0xffff, v63;
	s19 =	sadd.s32 s22, s19;
	s31 =	sor.u32 $0x400, s30;
	s20 =	sand.u32 $0x3FFFFFE0, s20  }
0x5e: {  	[hbm4b:s19+s31] =	stream.strided.scatter [tilespmem:s18], [sflag:$0x2], s20, s7, s31, $0x20;
	[tilespmem:$0x10100] =	vst v63  }
.LBB1_6:
0x5f: {  	_ =	sfence.sel $0x180000  }
0x60: {  	s2 =	simm.s32 $0x1;
	[bflag:$0x0] =	sbarrier.arrive $0xFFFF  }
0x61: {  	s31 =	simm.s32 $0x2;
	[sflag:s2] =	ssyncpa.u1 $0x1  }
0x62: {  	[sflag:s31] =	ssyncpa.u1 $0x1  }
0x63: {  	p0 =	sne.s32 s1, $0x0;
	_ =	strace $0x9000004D  }
0x64: {  	s0 =	sadd.s32 @!p0 $0x100000, s0;
	[bflag:$0x2] =	sbarrier.arrive $0xFFFF  }
0x65: {  	[sflag:s0] =	ssyncadd.tile.s32 @!p0 $0x1;
	_ =	shalt  }
.Lfunc_end1:
_tile_overlayer_lowered:
.L_overlay_start_2:
0x66: {  	(tag) =	ssettag $0x2  }
0x67: {  	s0 =	rddreg [dreg:$0x0];
	s2 =	stileid.u32  }
0x68: {  	s1 =	rddreg [dreg:$0x1];
	p0 =	sne.s32 s2, $0x0  }
0x69: {  	s3 =	rddreg [dreg:$0x2];
	[bflag:$0x3] =	sbarrier.arrive $0xFFFF;
	s2 =	simm.s32 @!p0 $0x1C01  }
0x6a: {  	[timem:s3], [sflag:s2] =	dma.local @!p0 [hbm:s0], s1  }
0x6b: {  	s0 =	simm.s32 @!p0 $0x1  }
0x6c: {  	_ =	swait.ge @!p0 [sflag:s0], s1  }
0x6d: {  	s1 =	ssub.s32 @!p0 $0x0, s1;
	[sflag:s0] =	ssyncset.done @!p0 $0x0  }
0x6e: {  	[sflag:s0] =	ssyncadd.s32 @!p0 s1  }
0x6f: {  	[bflag:$0x3] =	sbarrier.arrive $0xFFFF  }
0x70: {  	_ =	shalt  }

</sc_bundles>
